<compile_context>
chip_gen: v7x
topology: tpu7x:2x2x1
jax: 0.10.2.dev20260603
libtpu: 0.0.44.dev20260713+nightly
codegen_flags: <defaults>
</compile_context>

<pallas_src>
import functools
import math

import jax
import jax.numpy as jnp
from jax import lax
from jax.experimental import pallas as pl
from jax.experimental.pallas import tpu as pltpu
from jax.experimental.pallas import tpu_sc as plsc

D_MODEL = 64
SCALE = math.sqrt(D_MODEL)
NBUF = 4
SPLITS = ((0, 104), (104, 96))


@functools.cache
def _make_kernel(BATCH, SEQ, D):
    info = plsc.get_sparse_core_info()
    nc, ns = info.num_cores, info.num_subcores
    nw = nc * ns
    assert BATCH % (nw * NBUF) == 0
    b_per_w = BATCH // nw
    rows_per_w = b_per_w * SEQ
    mesh = plsc.VectorSubcoreMesh(core_axis_name="c", subcore_axis_name="s")

    @functools.partial(
        pl.kernel,
        mesh=mesh,
        out_type=jax.ShapeDtypeStruct((BATCH, SEQ, D), jnp.float32),
        scratch_types=[
            pltpu.VMEM((rows_per_w,), jnp.int32),
            pltpu.VMEM((NBUF, SEQ, D), jnp.float32),
        ]
        + [pltpu.SemaphoreType.DMA] * (2 * NBUF),
        compiler_params=pltpu.CompilerParams(use_tc_tiling_on_sc=False),
    )
    def emb_kernel(idx_hbm, table_hbm, out_hbm, idx_v, rows_v, *sems):
        gsem = sems[:NBUF]
        ssem = sems[NBUF:]
        wid = lax.axis_index("s") * nc + lax.axis_index("c")
        base = wid * rows_per_w
        base_b = wid * b_per_w

        pltpu.sync_copy(idx_hbm.at[pl.ds(base, rows_per_w)], idx_v)

        def fire_gather(cb, buf):
            for off, ln in SPLITS:
                idx_slice = idx_v.at[pl.ds(cb * SEQ + off, ln)]
                pltpu.async_copy(
                    table_hbm.at[idx_slice],
                    rows_v.at[buf, pl.ds(off, ln)],
                    gsem[buf],
                )

        def wait_gather(buf):
            pltpu.make_async_copy(
                table_hbm.at[idx_v.at[pl.ds(0, SEQ)]], rows_v.at[buf], gsem[buf]
            ).wait()

        def fire_scatter(cb, buf):
            pltpu.async_copy(rows_v.at[buf], out_hbm.at[base_b + cb], ssem[buf])

        def wait_scatter(buf):
            pltpu.make_async_copy(
                rows_v.at[buf], out_hbm.at[base_b], ssem[buf]
            ).wait()

        fire_gather(0, 0)
        fire_gather(1, 1)

        def group_body(p, carry):
            for b in range(NBUF):
                cb = NBUF * p + b
                wait_gather(b)

                @plsc.parallel_loop(0, SEQ, unroll=8)
                def _(i):
                    for k in range(D // 16):
                        sl = pl.ds(k * 16, 16)
                        rows_v[b, i, sl] = rows_v[b, i, sl] * SCALE

                fire_scatter(cb, b)
                nb = (b + 2) % NBUF

                @pl.when(cb + 2 < b_per_w)
                def _():
                    @pl.when(cb >= 2)
                    def _():
                        wait_scatter(nb)

                    fire_gather(cb + 2, nb)

            return carry

        lax.fori_loop(0, b_per_w // NBUF, group_body, 0)
        for b in range(NBUF):
            wait_scatter(b)

    return emb_kernel


@jax.jit
def kernel(x, table):
    idx = x.reshape(-1).astype(jnp.int32)
    return _make_kernel(x.shape[0], x.shape[1], table.shape[1])(idx, table)

# --- scband reference (transcript-rebuilt; emitter-appended) ---
"""Pipeline reference for scband-embedding-9887014716155 (READ-ONLY COPY).

The authoritative reference and input builder live on the scoring server;
editing this copy changes nothing except your own understanding.
"""

import jax, jax.numpy as jnp
import numpy as np
import math

VOCAB = 1000000
D_MODEL = 64

def setup_inputs(seed: int = 0) -> dict:
    key = jax.random.key(seed)
    k1, k2 = jax.random.split(key)
    x = jax.random.randint(k1, (4096, 200), 0, VOCAB, dtype=jnp.int64 if jax.config.jax_enable_x64 else jnp.int32)
    table = jax.random.normal(k2, (VOCAB, D_MODEL), dtype=jnp.float32)
    return {"x": x, "table": table}

def reference(x, table):
    # Embedding lookup followed by sqrt(d_model) scaling
    emb = jnp.take(table, x, axis=0)
    return emb * math.sqrt(D_MODEL)

if __name__ == "__main__":
    import jax
    _d = setup_inputs()
    print(jax.jit(kernel)(*tuple(_d.values())))

</pallas_src>

<mosaic_0001>
#map = affine_map<(d0, d1) -> (0)>
#map1 = affine_map<(d0, d1) -> (0, 0)>
#map2 = affine_map<(d0, d1) -> (0, 0, 0)>
module attributes {stable_mosaic.version = 14 : i64} {
  func.func @emb_kernel(%arg0: i32, %arg1: i32, %arg2: memref<819200xi32, #tpu.memory_space<hbm>>, %arg3: memref<1000000x64xf32, #tpu.memory_space<hbm>>, %arg4: memref<4096x200x64xf32, #tpu.memory_space<hbm>>, %arg5: memref<25600xi32, #tpu.memory_space<vmem>>, %arg6: memref<4x200x64xf32, #tpu.memory_space<vmem>>, %arg7: memref<!tpu.dma_semaphore, #tpu.memory_space<semaphore_mem>>, %arg8: memref<!tpu.dma_semaphore, #tpu.memory_space<semaphore_mem>>, %arg9: memref<!tpu.dma_semaphore, #tpu.memory_space<semaphore_mem>>, %arg10: memref<!tpu.dma_semaphore, #tpu.memory_space<semaphore_mem>>, %arg11: memref<!tpu.dma_semaphore, #tpu.memory_space<semaphore_mem>>, %arg12: memref<!tpu.dma_semaphore, #tpu.memory_space<semaphore_mem>>, %arg13: memref<!tpu.dma_semaphore, #tpu.memory_space<semaphore_mem>>, %arg14: memref<!tpu.dma_semaphore, #tpu.memory_space<semaphore_mem>>) attributes {dimension_semantics = [#tpu.dimension_semantics<core_parallel>, #tpu.dimension_semantics<subcore_parallel>], iteration_bounds = array<i64: 2, 16>, scalar_prefetch = 0 : i64, scratch_operands = 10 : i64, tpu.core_type = #tpu.core_type<sc_vector_subcore>, window_params = [{transform_indices = #map}, {transform_indices = #map1}, {transform_indices = #map2}]} {
    %mul3A = arith.constant 2 : i32
    %mul3A_0 = arith.muli %arg1, %mul3A : i32
    %add3A = arith.addi %mul3A_0, %arg0 : i32
    %mul3A_1 = arith.constant 25600 : i32
    %mul3A_2 = arith.muli %add3A, %mul3A_1 : i32
    %mul3A_3 = arith.constant 128 : i32
    %mul3A_4 = arith.muli %add3A, %mul3A_3 : i32
    "tpu.region"() ({
      %run_scoped3A = tpu.sem_alloc : memref<!tpu.dma_semaphore, #tpu.memory_space<semaphore_mem>>
      %dma_start3A_116 = tpu.memref_slice %arg2[%mul3A_2] : memref<819200xi32, #tpu.memory_space<hbm>> -> memref<25600xi32, #tpu.memory_space<hbm>>
      %dma_start3A_117 = tpu.memref_slice %arg2[%mul3A_2] : memref<819200xi32, #tpu.memory_space<hbm>> -> memref<25600xi32, #tpu.memory_space<hbm>>
      tpu.enqueue_dma source(%dma_start3A_117 : memref<25600xi32, #tpu.memory_space<hbm>>) target(%arg5 : memref<25600xi32, #tpu.memory_space<vmem>>) target_semaphore(%run_scoped3A : memref<!tpu.dma_semaphore, #tpu.memory_space<semaphore_mem>>)
      %dma_wait3A_118 = tpu.memref_slice %arg2[%mul3A_2] : memref<819200xi32, #tpu.memory_space<hbm>> -> memref<25600xi32, #tpu.memory_space<hbm>>
      %dma_wait3A_119 = tpu.memref_slice %arg2[%mul3A_2] : memref<819200xi32, #tpu.memory_space<hbm>> -> memref<25600xi32, #tpu.memory_space<hbm>>
      tpu.wait_dma2 semaphore(%run_scoped3A : memref<!tpu.dma_semaphore, #tpu.memory_space<semaphore_mem>>) src(%dma_wait3A_119 : memref<25600xi32, #tpu.memory_space<hbm>>) dst(%arg5 : memref<25600xi32, #tpu.memory_space<vmem>>)
      tpu.yield
    }) : () -> ()
    %dma_start3A = arith.constant 0 : i32
    %dma_start3A_5 = arith.constant 0 : i32
    %dma_start3A_6 = arith.constant 0 : i32
    %dma_start3A_7 = tpu.memref_slice %arg6[%dma_start3A, %dma_start3A_5, %dma_start3A_6] : memref<4x200x64xf32, #tpu.memory_space<vmem>> -> memref<1x104x64xf32, #tpu.memory_space<vmem>>
    %dma_start3A_8 = tpu.memref_squeeze %dma_start3A_7 : memref<1x104x64xf32, #tpu.memory_space<vmem>> -> memref<104x64xf32, #tpu.memory_space<vmem>>
    %dma_start3A_9 = arith.constant 0 : i32
    %dma_start3A_10 = tpu.memref_slice %arg5[%dma_start3A_9] : memref<25600xi32, #tpu.memory_space<vmem>> -> memref<104xi32, #tpu.memory_space<vmem>>
    %dma_start3A_11 = arith.constant 0 : i32
    %dma_start3A_12 = arith.constant 0 : i32
    %dma_start3A_13 = tpu.memref_slice %arg3[%dma_start3A_11, %dma_start3A_12] : memref<1000000x64xf32, #tpu.memory_space<hbm>> -> memref<1000000x64xf32, #tpu.memory_space<hbm>>
    tpu.enqueue_indirect_dma source(%dma_start3A_13 : memref<1000000x64xf32, #tpu.memory_space<hbm>>) target(%dma_start3A_8 : memref<104x64xf32, #tpu.memory_space<vmem>>) offsets(%dma_start3A_10 : memref<104xi32, #tpu.memory_space<vmem>>) semaphore(%arg7 : memref<!tpu.dma_semaphore, #tpu.memory_space<semaphore_mem>>)
    %dma_start3A_14 = arith.constant 0 : i32
    %dma_start3A_15 = arith.constant 104 : i32
    %dma_start3A_16 = arith.constant 0 : i32
    %dma_start3A_17 = tpu.memref_slice %arg6[%dma_start3A_14, %dma_start3A_15, %dma_start3A_16] : memref<4x200x64xf32, #tpu.memory_space<vmem>> -> memref<1x96x64xf32, #tpu.memory_space<vmem>>
    %dma_start3A_18 = tpu.memref_squeeze %dma_start3A_17 : memref<1x96x64xf32, #tpu.memory_space<vmem>> -> memref<96x64xf32, #tpu.memory_space<vmem>>
    %dma_start3A_19 = arith.constant 104 : i32
    %dma_start3A_20 = tpu.memref_slice %arg5[%dma_start3A_19] : memref<25600xi32, #tpu.memory_space<vmem>> -> memref<96xi32, #tpu.memory_space<vmem>>
    %dma_start3A_21 = arith.constant 0 : i32
    %dma_start3A_22 = arith.constant 0 : i32
    %dma_start3A_23 = tpu.memref_slice %arg3[%dma_start3A_21, %dma_start3A_22] : memref<1000000x64xf32, #tpu.memory_space<hbm>> -> memref<1000000x64xf32, #tpu.memory_space<hbm>>
    tpu.enqueue_indirect_dma source(%dma_start3A_23 : memref<1000000x64xf32, #tpu.memory_space<hbm>>) target(%dma_start3A_18 : memref<96x64xf32, #tpu.memory_space<vmem>>) offsets(%dma_start3A_20 : memref<96xi32, #tpu.memory_space<vmem>>) semaphore(%arg7 : memref<!tpu.dma_semaphore, #tpu.memory_space<semaphore_mem>>)
    %dma_start3A_24 = arith.constant 1 : i32
    %dma_start3A_25 = arith.constant 0 : i32
    %dma_start3A_26 = arith.constant 0 : i32
    %dma_start3A_27 = tpu.memref_slice %arg6[%dma_start3A_24, %dma_start3A_25, %dma_start3A_26] : memref<4x200x64xf32, #tpu.memory_space<vmem>> -> memref<1x104x64xf32, #tpu.memory_space<vmem>>
    %dma_start3A_28 = tpu.memref_squeeze %dma_start3A_27 : memref<1x104x64xf32, #tpu.memory_space<vmem>> -> memref<104x64xf32, #tpu.memory_space<vmem>>
    %dma_start3A_29 = arith.constant 200 : i32
    %dma_start3A_30 = tpu.memref_slice %arg5[%dma_start3A_29] : memref<25600xi32, #tpu.memory_space<vmem>> -> memref<104xi32, #tpu.memory_space<vmem>>
    %dma_start3A_31 = arith.constant 0 : i32
    %dma_start3A_32 = arith.constant 0 : i32
    %dma_start3A_33 = tpu.memref_slice %arg3[%dma_start3A_31, %dma_start3A_32] : memref<1000000x64xf32, #tpu.memory_space<hbm>> -> memref<1000000x64xf32, #tpu.memory_space<hbm>>
    tpu.enqueue_indirect_dma source(%dma_start3A_33 : memref<1000000x64xf32, #tpu.memory_space<hbm>>) target(%dma_start3A_28 : memref<104x64xf32, #tpu.memory_space<vmem>>) offsets(%dma_start3A_30 : memref<104xi32, #tpu.memory_space<vmem>>) semaphore(%arg8 : memref<!tpu.dma_semaphore, #tpu.memory_space<semaphore_mem>>)
    %dma_start3A_34 = arith.constant 1 : i32
    %dma_start3A_35 = arith.constant 104 : i32
    %dma_start3A_36 = arith.constant 0 : i32
    %dma_start3A_37 = tpu.memref_slice %arg6[%dma_start3A_34, %dma_start3A_35, %dma_start3A_36] : memref<4x200x64xf32, #tpu.memory_space<vmem>> -> memref<1x96x64xf32, #tpu.memory_space<vmem>>
    %dma_start3A_38 = tpu.memref_squeeze %dma_start3A_37 : memref<1x96x64xf32, #tpu.memory_space<vmem>> -> memref<96x64xf32, #tpu.memory_space<vmem>>
    %dma_start3A_39 = arith.constant 304 : i32
    %dma_start3A_40 = tpu.memref_slice %arg5[%dma_start3A_39] : memref<25600xi32, #tpu.memory_space<vmem>> -> memref<96xi32, #tpu.memory_space<vmem>>
    %dma_start3A_41 = arith.constant 0 : i32
    %dma_start3A_42 = arith.constant 0 : i32
    %dma_start3A_43 = tpu.memref_slice %arg3[%dma_start3A_41, %dma_start3A_42] : memref<1000000x64xf32, #tpu.memory_space<hbm>> -> memref<1000000x64xf32, #tpu.memory_space<hbm>>
    tpu.enqueue_indirect_dma source(%dma_start3A_43 : memref<1000000x64xf32, #tpu.memory_space<hbm>>) target(%dma_start3A_38 : memref<96x64xf32, #tpu.memory_space<vmem>>) offsets(%dma_start3A_40 : memref<96xi32, #tpu.memory_space<vmem>>) semaphore(%arg8 : memref<!tpu.dma_semaphore, #tpu.memory_space<semaphore_mem>>)
    %scan3A = arith.constant 0 : i32
    %scan3A_44 = arith.constant 0 : i32
    %scan3A_45 = arith.constant 32 : i32
    %scan3A_46 = arith.addi %scan3A_44, %scan3A_45 : i32
    %scan3A_47 = arith.constant 1 : i32
    scf.for %scan3A_116 = %scan3A_44 to %scan3A_46 step %scan3A_47  : i32 {
      %mul3A_117 = arith.constant 4 : i32
      %mul3A_118 = arith.muli %mul3A_117, %scan3A_116 : i32
      %add3A_119 = arith.constant 0 : i32
      %add3A_120 = arith.addi %mul3A_118, %add3A_119 : i32
      %dma_wait3A_121 = arith.constant 0 : i32
      %dma_wait3A_122 = arith.constant 0 : i32
      %dma_wait3A_123 = arith.constant 0 : i32
      %dma_wait3A_124 = tpu.memref_slice %arg6[%dma_wait3A_121, %dma_wait3A_122, %dma_wait3A_123] : memref<4x200x64xf32, #tpu.memory_space<vmem>> -> memref<1x200x64xf32, #tpu.memory_space<vmem>>
      %dma_wait3A_125 = tpu.memref_squeeze %dma_wait3A_124 : memref<1x200x64xf32, #tpu.memory_space<vmem>> -> memref<200x64xf32, #tpu.memory_space<vmem>>
      %dma_wait3A_126 = arith.constant 0 : i32
      %dma_wait3A_127 = tpu.memref_slice %arg5[%dma_wait3A_126] : memref<25600xi32, #tpu.memory_space<vmem>> -> memref<200xi32, #tpu.memory_space<vmem>>
      %dma_wait3A_128 = arith.constant 0 : i32
      %dma_wait3A_129 = arith.constant 0 : i32
      %dma_wait3A_130 = tpu.memref_slice %arg3[%dma_wait3A_128, %dma_wait3A_129] : memref<1000000x64xf32, #tpu.memory_space<hbm>> -> memref<1000000x64xf32, #tpu.memory_space<hbm>>
      tpu.wait_indirect_dma semaphore(%arg7 : memref<!tpu.dma_semaphore, #tpu.memory_space<semaphore_mem>>) src(%dma_wait3A_130 : memref<1000000x64xf32, #tpu.memory_space<hbm>>) dst(%dma_wait3A_125 : memref<200x64xf32, #tpu.memory_space<vmem>>)
      %parallel_loop3A = arith.constant 0 : i32
      %parallel_loop3A_131 = arith.constant 200 : i32
      %parallel_loop3A_132 = arith.constant 1 : i32
      scf.for %parallel_loop3A_281 = %parallel_loop3A to %parallel_loop3A_131 step %parallel_loop3A_132  : i32 {
        %parallel_loop3A_282 = arith.constant 0 : i32
        %parallel_loop3A_283 = arith.index_cast %parallel_loop3A_282 : i32 to index
        %parallel_loop3A_284 = arith.index_cast %parallel_loop3A_281 : i32 to index
        %parallel_loop3A_285 = arith.constant 0 : index
        %parallel_loop3A_286 = tpu.vector_load %arg6[%parallel_loop3A_283, %parallel_loop3A_284, %parallel_loop3A_285] {strides = array<i32>} : memref<4x200x64xf32, #tpu.memory_space<vmem>>, vector<1x1x16xf32>,
        %parallel_loop3A_287 = vector.shape_cast %parallel_loop3A_286 : vector<1x1x16xf32> to vector<16xf32>
        %parallel_loop3A_288 = arith.constant 8.000000e+00 : f32
        %parallel_loop3A_289 = vector.broadcast %parallel_loop3A_288 : f32 to vector<16xf32>
        %parallel_loop3A_290 = arith.mulf %parallel_loop3A_287, %parallel_loop3A_289 : vector<16xf32>
        %parallel_loop3A_291 = arith.constant 0 : i32
        %parallel_loop3A_292 = arith.index_cast %parallel_loop3A_291 : i32 to index
        %parallel_loop3A_293 = arith.index_cast %parallel_loop3A_281 : i32 to index
        %parallel_loop3A_294 = arith.constant 0 : index
        %parallel_loop3A_295 = tpu.vector_load %arg6[%parallel_loop3A_292, %parallel_loop3A_293, %parallel_loop3A_294] {strides = array<i32>} : memref<4x200x64xf32, #tpu.memory_space<vmem>>, vector<1x1x16xf32>,
        %parallel_loop3A_296 = vector.shape_cast %parallel_loop3A_295 : vector<1x1x16xf32> to vector<16xf32>
        %parallel_loop3A_297 = vector.shape_cast %parallel_loop3A_290 : vector<16xf32> to vector<1x1x16xf32>
        tpu.vector_store %arg6[%parallel_loop3A_292, %parallel_loop3A_293, %parallel_loop3A_294], %parallel_loop3A_297 {strides = array<i32>} : memref<4x200x64xf32, #tpu.memory_space<vmem>>, vector<1x1x16xf32>,
        %parallel_loop3A_298 = arith.constant 0 : i32
        %parallel_loop3A_299 = arith.index_cast %parallel_loop3A_298 : i32 to index
        %parallel_loop3A_300 = arith.index_cast %parallel_loop3A_281 : i32 to index
        %parallel_loop3A_301 = arith.constant 16 : index
        %parallel_loop3A_302 = tpu.vector_load %arg6[%parallel_loop3A_299, %parallel_loop3A_300, %parallel_loop3A_301] {strides = array<i32>} : memref<4x200x64xf32, #tpu.memory_space<vmem>>, vector<1x1x16xf32>,
        %parallel_loop3A_303 = vector.shape_cast %parallel_loop3A_302 : vector<1x1x16xf32> to vector<16xf32>
        %parallel_loop3A_304 = arith.constant 8.000000e+00 : f32
        %parallel_loop3A_305 = vector.broadcast %parallel_loop3A_304 : f32 to vector<16xf32>
        %parallel_loop3A_306 = arith.mulf %parallel_loop3A_303, %parallel_loop3A_305 : vector<16xf32>
        %parallel_loop3A_307 = arith.constant 0 : i32
        %parallel_loop3A_308 = arith.index_cast %parallel_loop3A_307 : i32 to index
        %parallel_loop3A_309 = arith.index_cast %parallel_loop3A_281 : i32 to index
        %parallel_loop3A_310 = arith.constant 16 : index
        %parallel_loop3A_311 = tpu.vector_load %arg6[%parallel_loop3A_308, %parallel_loop3A_309, %parallel_loop3A_310] {strides = array<i32>} : memref<4x200x64xf32, #tpu.memory_space<vmem>>, vector<1x1x16xf32>,
        %parallel_loop3A_312 = vector.shape_cast %parallel_loop3A_311 : vector<1x1x16xf32> to vector<16xf32>
        %parallel_loop3A_313 = vector.shape_cast %parallel_loop3A_306 : vector<16xf32> to vector<1x1x16xf32>
        tpu.vector_store %arg6[%parallel_loop3A_308, %parallel_loop3A_309, %parallel_loop3A_310], %parallel_loop3A_313 {strides = array<i32>} : memref<4x200x64xf32, #tpu.memory_space<vmem>>, vector<1x1x16xf32>,
        %parallel_loop3A_314 = arith.constant 0 : i32
        %parallel_loop3A_315 = arith.index_cast %parallel_loop3A_314 : i32 to index
        %parallel_loop3A_316 = arith.index_cast %parallel_loop3A_281 : i32 to index
        %parallel_loop3A_317 = arith.constant 32 : index
        %parallel_loop3A_318 = tpu.vector_load %arg6[%parallel_loop3A_315, %parallel_loop3A_316, %parallel_loop3A_317] {strides = array<i32>} : memref<4x200x64xf32, #tpu.memory_space<vmem>>, vector<1x1x16xf32>,
        %parallel_loop3A_319 = vector.shape_cast %parallel_loop3A_318 : vector<1x1x16xf32> to vector<16xf32>
        %parallel_loop3A_320 = arith.constant 8.000000e+00 : f32
        %parallel_loop3A_321 = vector.broadcast %parallel_loop3A_320 : f32 to vector<16xf32>
        %parallel_loop3A_322 = arith.mulf %parallel_loop3A_319, %parallel_loop3A_321 : vector<16xf32>
        %parallel_loop3A_323 = arith.constant 0 : i32
        %parallel_loop3A_324 = arith.index_cast %parallel_loop3A_323 : i32 to index
        %parallel_loop3A_325 = arith.index_cast %parallel_loop3A_281 : i32 to index
        %parallel_loop3A_326 = arith.constant 32 : index
        %parallel_loop3A_327 = tpu.vector_load %arg6[%parallel_loop3A_324, %parallel_loop3A_325, %parallel_loop3A_326] {strides = array<i32>} : memref<4x200x64xf32, #tpu.memory_space<vmem>>, vector<1x1x16xf32>,
        %parallel_loop3A_328 = vector.shape_cast %parallel_loop3A_327 : vector<1x1x16xf32> to vector<16xf32>
        %parallel_loop3A_329 = vector.shape_cast %parallel_loop3A_322 : vector<16xf32> to vector<1x1x16xf32>
        tpu.vector_store %arg6[%parallel_loop3A_324, %parallel_loop3A_325, %parallel_loop3A_326], %parallel_loop3A_329 {strides = array<i32>} : memref<4x200x64xf32, #tpu.memory_space<vmem>>, vector<1x1x16xf32>,
        %parallel_loop3A_330 = arith.constant 0 : i32
        %parallel_loop3A_331 = arith.index_cast %parallel_loop3A_330 : i32 to index
        %parallel_loop3A_332 = arith.index_cast %parallel_loop3A_281 : i32 to index
        %parallel_loop3A_333 = arith.constant 48 : index
        %parallel_loop3A_334 = tpu.vector_load %arg6[%parallel_loop3A_331, %parallel_loop3A_332, %parallel_loop3A_333] {strides = array<i32>} : memref<4x200x64xf32, #tpu.memory_space<vmem>>, vector<1x1x16xf32>,
        %parallel_loop3A_335 = vector.shape_cast %parallel_loop3A_334 : vector<1x1x16xf32> to vector<16xf32>
        %parallel_loop3A_336 = arith.constant 8.000000e+00 : f32
        %parallel_loop3A_337 = vector.broadcast %parallel_loop3A_336 : f32 to vector<16xf32>
        %parallel_loop3A_338 = arith.mulf %parallel_loop3A_335, %parallel_loop3A_337 : vector<16xf32>
        %parallel_loop3A_339 = arith.constant 0 : i32
        %parallel_loop3A_340 = arith.index_cast %parallel_loop3A_339 : i32 to index
        %parallel_loop3A_341 = arith.index_cast %parallel_loop3A_281 : i32 to index
        %parallel_loop3A_342 = arith.constant 48 : index
        %parallel_loop3A_343 = tpu.vector_load %arg6[%parallel_loop3A_340, %parallel_loop3A_341, %parallel_loop3A_342] {strides = array<i32>} : memref<4x200x64xf32, #tpu.memory_space<vmem>>, vector<1x1x16xf32>,
        %parallel_loop3A_344 = vector.shape_cast %parallel_loop3A_343 : vector<1x1x16xf32> to vector<16xf32>
        %parallel_loop3A_345 = vector.shape_cast %parallel_loop3A_338 : vector<16xf32> to vector<1x1x16xf32>
        tpu.vector_store %arg6[%parallel_loop3A_340, %parallel_loop3A_341, %parallel_loop3A_342], %parallel_loop3A_345 {strides = array<i32>} : memref<4x200x64xf32, #tpu.memory_space<vmem>>, vector<1x1x16xf32>,
      } {sc.loop_unroll_factor = 8 : i64, sc.parallel_access}
      %add3A_133 = arith.addi %mul3A_4, %add3A_120 : i32
      %dma_start3A_134 = arith.constant 0 : i32
      %dma_start3A_135 = arith.constant 0 : i32
      %dma_start3A_136 = arith.constant 0 : i32
      %dma_start3A_137 = tpu.memref_slice %arg6[%dma_start3A_134, %dma_start3A_135, %dma_start3A_136] : memref<4x200x64xf32, #tpu.memory_space<vmem>> -> memref<1x200x64xf32, #tpu.memory_space<vmem>>
      %dma_start3A_138 = tpu.memref_squeeze %dma_start3A_137 : memref<1x200x64xf32, #tpu.memory_space<vmem>> -> memref<200x64xf32, #tpu.memory_space<vmem>>
      %dma_start3A_139 = arith.constant 0 : i32
      %dma_start3A_140 = arith.constant 0 : i32
      %dma_start3A_141 = tpu.memref_slice %arg4[%add3A_133, %dma_start3A_139, %dma_start3A_140] : memref<4096x200x64xf32, #tpu.memory_space<hbm>> -> memref<1x200x64xf32, #tpu.memory_space<hbm>>
      %dma_start3A_142 = tpu.memref_squeeze %dma_start3A_141 : memref<1x200x64xf32, #tpu.memory_space<hbm>> -> memref<200x64xf32, #tpu.memory_space<hbm>>
      %dma_start3A_143 = arith.constant 0 : i32
      %dma_start3A_144 = arith.constant 0 : i32
      %dma_start3A_145 = tpu.memref_slice %arg4[%add3A_133, %dma_start3A_143, %dma_start3A_144] : memref<4096x200x64xf32, #tpu.memory_space<hbm>> -> memref<1x200x64xf32, #tpu.memory_space<hbm>>
      %dma_start3A_146 = tpu.memref_squeeze %dma_start3A_145 : memref<1x200x64xf32, #tpu.memory_space<hbm>> -> memref<200x64xf32, #tpu.memory_space<hbm>>
      %dma_start3A_147 = arith.constant 0 : i32
      %dma_start3A_148 = arith.constant 0 : i32
      %dma_start3A_149 = tpu.memref_slice %arg6[%dma_start3A_134, %dma_start3A_147, %dma_start3A_148] : memref<4x200x64xf32, #tpu.memory_space<vmem>> -> memref<1x200x64xf32, #tpu.memory_space<vmem>>
      %dma_start3A_150 = tpu.memref_squeeze %dma_start3A_149 : memref<1x200x64xf32, #tpu.memory_space<vmem>> -> memref<200x64xf32, #tpu.memory_space<vmem>>
      tpu.enqueue_dma source(%dma_start3A_150 : memref<200x64xf32, #tpu.memory_space<vmem>>) target(%dma_start3A_146 : memref<200x64xf32, #tpu.memory_space<hbm>>) target_semaphore(%arg11 : memref<!tpu.dma_semaphore, #tpu.memory_space<semaphore_mem>>)
      %add3A_151 = arith.constant 2 : i32
      %add3A_152 = arith.addi %add3A_120, %add3A_151 : i32
      %lt3A = arith.constant 128 : i32
      %lt3A_153 = arith.cmpi slt, %add3A_152, %lt3A : i32
      %convert_element_type3A = arith.extui %lt3A_153 : i1 to i32
      %cond3A = arith.constant 0 : i32
      %cond3A_154 = arith.cmpi ne, %convert_element_type3A, %cond3A : i32
      scf.if %cond3A_154 {
        %ge3A = arith.constant 2 : i32
        %ge3A_281 = arith.cmpi sge, %add3A_120, %ge3A : i32
        %convert_element_type3A_282 = arith.extui %ge3A_281 : i1 to i32
        %cond3A_283 = arith.constant 0 : i32
        %cond3A_284 = arith.cmpi ne, %convert_element_type3A_282, %cond3A_283 : i32
        scf.if %cond3A_284 {
          %dma_wait3A_313 = arith.constant 2 : i32
          %dma_wait3A_314 = arith.constant 0 : i32
          %dma_wait3A_315 = arith.constant 0 : i32
          %dma_wait3A_316 = tpu.memref_slice %arg6[%dma_wait3A_313, %dma_wait3A_314, %dma_wait3A_315] : memref<4x200x64xf32, #tpu.memory_space<vmem>> -> memref<1x200x64xf32, #tpu.memory_space<vmem>>
          %dma_wait3A_317 = tpu.memref_squeeze %dma_wait3A_316 : memref<1x200x64xf32, #tpu.memory_space<vmem>> -> memref<200x64xf32, #tpu.memory_space<vmem>>
          %dma_wait3A_318 = arith.constant 0 : i32
          %dma_wait3A_319 = arith.constant 0 : i32
          %dma_wait3A_320 = tpu.memref_slice %arg4[%mul3A_4, %dma_wait3A_318, %dma_wait3A_319] : memref<4096x200x64xf32, #tpu.memory_space<hbm>> -> memref<1x200x64xf32, #tpu.memory_space<hbm>>
          %dma_wait3A_321 = tpu.memref_squeeze %dma_wait3A_320 : memref<1x200x64xf32, #tpu.memory_space<hbm>> -> memref<200x64xf32, #tpu.memory_space<hbm>>
          %dma_wait3A_322 = arith.constant 0 : i32
          %dma_wait3A_323 = arith.constant 0 : i32
          %dma_wait3A_324 = tpu.memref_slice %arg4[%mul3A_4, %dma_wait3A_322, %dma_wait3A_323] : memref<4096x200x64xf32, #tpu.memory_space<hbm>> -> memref<1x200x64xf32, #tpu.memory_space<hbm>>
          %dma_wait3A_325 = tpu.memref_squeeze %dma_wait3A_324 : memref<1x200x64xf32, #tpu.memory_space<hbm>> -> memref<200x64xf32, #tpu.memory_space<hbm>>
          %dma_wait3A_326 = arith.constant 0 : i32
          %dma_wait3A_327 = arith.constant 0 : i32
          %dma_wait3A_328 = tpu.memref_slice %arg6[%dma_wait3A_313, %dma_wait3A_326, %dma_wait3A_327] : memref<4x200x64xf32, #tpu.memory_space<vmem>> -> memref<1x200x64xf32, #tpu.memory_space<vmem>>
          %dma_wait3A_329 = tpu.memref_squeeze %dma_wait3A_328 : memref<1x200x64xf32, #tpu.memory_space<vmem>> -> memref<200x64xf32, #tpu.memory_space<vmem>>
          tpu.wait_dma2 semaphore(%arg13 : memref<!tpu.dma_semaphore, #tpu.memory_space<semaphore_mem>>) src(%dma_wait3A_329 : memref<200x64xf32, #tpu.memory_space<vmem>>) dst(%dma_wait3A_325 : memref<200x64xf32, #tpu.memory_space<hbm>>)
        } else {
        }
        %add3A_285 = arith.constant 2 : i32
        %add3A_286 = arith.addi %add3A_120, %add3A_285 : i32
        %mul3A_287 = arith.constant 200 : i32
        %mul3A_288 = arith.muli %add3A_286, %mul3A_287 : i32
        %add3A_289 = arith.constant 0 : i32
        %add3A_290 = arith.addi %mul3A_288, %add3A_289 : i32
        %dma_start3A_291 = arith.constant 2 : i32
        %dma_start3A_292 = arith.constant 0 : i32
        %dma_start3A_293 = arith.constant 0 : i32
        %dma_start3A_294 = tpu.memref_slice %arg6[%dma_start3A_291, %dma_start3A_292, %dma_start3A_293] : memref<4x200x64xf32, #tpu.memory_space<vmem>> -> memref<1x104x64xf32, #tpu.memory_space<vmem>>
        %dma_start3A_295 = tpu.memref_squeeze %dma_start3A_294 : memref<1x104x64xf32, #tpu.memory_space<vmem>> -> memref<104x64xf32, #tpu.memory_space<vmem>>
        %dma_start3A_296 = tpu.memref_slice %arg5[%add3A_290] : memref<25600xi32, #tpu.memory_space<vmem>> -> memref<104xi32, #tpu.memory_space<vmem>>
        %dma_start3A_297 = arith.constant 0 : i32
        %dma_start3A_298 = arith.constant 0 : i32
        %dma_start3A_299 = tpu.memref_slice %arg3[%dma_start3A_297, %dma_start3A_298] : memref<1000000x64xf32, #tpu.memory_space<hbm>> -> memref<1000000x64xf32, #tpu.memory_space<hbm>>
        tpu.enqueue_indirect_dma source(%dma_start3A_299 : memref<1000000x64xf32, #tpu.memory_space<hbm>>) target(%dma_start3A_295 : memref<104x64xf32, #tpu.memory_space<vmem>>) offsets(%dma_start3A_296 : memref<104xi32, #tpu.memory_space<vmem>>) semaphore(%arg9 : memref<!tpu.dma_semaphore, #tpu.memory_space<semaphore_mem>>)
        %mul3A_300 = arith.constant 200 : i32
        %mul3A_301 = arith.muli %add3A_286, %mul3A_300 : i32
        %add3A_302 = arith.constant 104 : i32
        %add3A_303 = arith.addi %mul3A_301, %add3A_302 : i32
        %dma_start3A_304 = arith.constant 2 : i32
        %dma_start3A_305 = arith.constant 104 : i32
        %dma_start3A_306 = arith.constant 0 : i32
        %dma_start3A_307 = tpu.memref_slice %arg6[%dma_start3A_304, %dma_start3A_305, %dma_start3A_306] : memref<4x200x64xf32, #tpu.memory_space<vmem>> -> memref<1x96x64xf32, #tpu.memory_space<vmem>>
        %dma_start3A_308 = tpu.memref_squeeze %dma_start3A_307 : memref<1x96x64xf32, #tpu.memory_space<vmem>> -> memref<96x64xf32, #tpu.memory_space<vmem>>
        %dma_start3A_309 = tpu.memref_slice %arg5[%add3A_303] : memref<25600xi32, #tpu.memory_space<vmem>> -> memref<96xi32, #tpu.memory_space<vmem>>
        %dma_start3A_310 = arith.constant 0 : i32
        %dma_start3A_311 = arith.constant 0 : i32
        %dma_start3A_312 = tpu.memref_slice %arg3[%dma_start3A_310, %dma_start3A_311] : memref<1000000x64xf32, #tpu.memory_space<hbm>> -> memref<1000000x64xf32, #tpu.memory_space<hbm>>
        tpu.enqueue_indirect_dma source(%dma_start3A_312 : memref<1000000x64xf32, #tpu.memory_space<hbm>>) target(%dma_start3A_308 : memref<96x64xf32, #tpu.memory_space<vmem>>) offsets(%dma_start3A_309 : memref<96xi32, #tpu.memory_space<vmem>>) semaphore(%arg9 : memref<!tpu.dma_semaphore, #tpu.memory_space<semaphore_mem>>)
      } else {
      }
      %mul3A_155 = arith.constant 4 : i32
      %mul3A_156 = arith.muli %mul3A_155, %scan3A_116 : i32
      %add3A_157 = arith.constant 1 : i32
      %add3A_158 = arith.addi %mul3A_156, %add3A_157 : i32
      %dma_wait3A_159 = arith.constant 1 : i32
      %dma_wait3A_160 = arith.constant 0 : i32
      %dma_wait3A_161 = arith.constant 0 : i32
      %dma_wait3A_162 = tpu.memref_slice %arg6[%dma_wait3A_159, %dma_wait3A_160, %dma_wait3A_161] : memref<4x200x64xf32, #tpu.memory_space<vmem>> -> memref<1x200x64xf32, #tpu.memory_space<vmem>>
      %dma_wait3A_163 = tpu.memref_squeeze %dma_wait3A_162 : memref<1x200x64xf32, #tpu.memory_space<vmem>> -> memref<200x64xf32, #tpu.memory_space<vmem>>
      %dma_wait3A_164 = arith.constant 0 : i32
      %dma_wait3A_165 = tpu.memref_slice %arg5[%dma_wait3A_164] : memref<25600xi32, #tpu.memory_space<vmem>> -> memref<200xi32, #tpu.memory_space<vmem>>
      %dma_wait3A_166 = arith.constant 0 : i32
      %dma_wait3A_167 = arith.constant 0 : i32
      %dma_wait3A_168 = tpu.memref_slice %arg3[%dma_wait3A_166, %dma_wait3A_167] : memref<1000000x64xf32, #tpu.memory_space<hbm>> -> memref<1000000x64xf32, #tpu.memory_space<hbm>>
      tpu.wait_indirect_dma semaphore(%arg8 : memref<!tpu.dma_semaphore, #tpu.memory_space<semaphore_mem>>) src(%dma_wait3A_168 : memref<1000000x64xf32, #tpu.memory_space<hbm>>) dst(%dma_wait3A_163 : memref<200x64xf32, #tpu.memory_space<vmem>>)
      %parallel_loop3A_169 = arith.constant 0 : i32
      %parallel_loop3A_170 = arith.constant 200 : i32
      %parallel_loop3A_171 = arith.constant 1 : i32
      scf.for %parallel_loop3A_281 = %parallel_loop3A_169 to %parallel_loop3A_170 step %parallel_loop3A_171  : i32 {
        %parallel_loop3A_282 = arith.constant 1 : i32
        %parallel_loop3A_283 = arith.index_cast %parallel_loop3A_282 : i32 to index
        %parallel_loop3A_284 = arith.index_cast %parallel_loop3A_281 : i32 to index
        %parallel_loop3A_285 = arith.constant 0 : index
        %parallel_loop3A_286 = tpu.vector_load %arg6[%parallel_loop3A_283, %parallel_loop3A_284, %parallel_loop3A_285] {strides = array<i32>} : memref<4x200x64xf32, #tpu.memory_space<vmem>>, vector<1x1x16xf32>,
        %parallel_loop3A_287 = vector.shape_cast %parallel_loop3A_286 : vector<1x1x16xf32> to vector<16xf32>
        %parallel_loop3A_288 = arith.constant 8.000000e+00 : f32
        %parallel_loop3A_289 = vector.broadcast %parallel_loop3A_288 : f32 to vector<16xf32>
        %parallel_loop3A_290 = arith.mulf %parallel_loop3A_287, %parallel_loop3A_289 : vector<16xf32>
        %parallel_loop3A_291 = arith.constant 1 : i32
        %parallel_loop3A_292 = arith.index_cast %parallel_loop3A_291 : i32 to index
        %parallel_loop3A_293 = arith.index_cast %parallel_loop3A_281 : i32 to index
        %parallel_loop3A_294 = arith.constant 0 : index
        %parallel_loop3A_295 = tpu.vector_load %arg6[%parallel_loop3A_292, %parallel_loop3A_293, %parallel_loop3A_294] {strides = array<i32>} : memref<4x200x64xf32, #tpu.memory_space<vmem>>, vector<1x1x16xf32>,
        %parallel_loop3A_296 = vector.shape_cast %parallel_loop3A_295 : vector<1x1x16xf32> to vector<16xf32>
        %parallel_loop3A_297 = vector.shape_cast %parallel_loop3A_290 : vector<16xf32> to vector<1x1x16xf32>
        tpu.vector_store %arg6[%parallel_loop3A_292, %parallel_loop3A_293, %parallel_loop3A_294], %parallel_loop3A_297 {strides = array<i32>} : memref<4x200x64xf32, #tpu.memory_space<vmem>>, vector<1x1x16xf32>,
        %parallel_loop3A_298 = arith.constant 1 : i32
        %parallel_loop3A_299 = arith.index_cast %parallel_loop3A_298 : i32 to index
        %parallel_loop3A_300 = arith.index_cast %parallel_loop3A_281 : i32 to index
        %parallel_loop3A_301 = arith.constant 16 : index
        %parallel_loop3A_302 = tpu.vector_load %arg6[%parallel_loop3A_299, %parallel_loop3A_300, %parallel_loop3A_301] {strides = array<i32>} : memref<4x200x64xf32, #tpu.memory_space<vmem>>, vector<1x1x16xf32>,
        %parallel_loop3A_303 = vector.shape_cast %parallel_loop3A_302 : vector<1x1x16xf32> to vector<16xf32>
        %parallel_loop3A_304 = arith.constant 8.000000e+00 : f32
        %parallel_loop3A_305 = vector.broadcast %parallel_loop3A_304 : f32 to vector<16xf32>
        %parallel_loop3A_306 = arith.mulf %parallel_loop3A_303, %parallel_loop3A_305 : vector<16xf32>
        %parallel_loop3A_307 = arith.constant 1 : i32
        %parallel_loop3A_308 = arith.index_cast %parallel_loop3A_307 : i32 to index
        %parallel_loop3A_309 = arith.index_cast %parallel_loop3A_281 : i32 to index
        %parallel_loop3A_310 = arith.constant 16 : index
        %parallel_loop3A_311 = tpu.vector_load %arg6[%parallel_loop3A_308, %parallel_loop3A_309, %parallel_loop3A_310] {strides = array<i32>} : memref<4x200x64xf32, #tpu.memory_space<vmem>>, vector<1x1x16xf32>,
        %parallel_loop3A_312 = vector.shape_cast %parallel_loop3A_311 : vector<1x1x16xf32> to vector<16xf32>
        %parallel_loop3A_313 = vector.shape_cast %parallel_loop3A_306 : vector<16xf32> to vector<1x1x16xf32>
        tpu.vector_store %arg6[%parallel_loop3A_308, %parallel_loop3A_309, %parallel_loop3A_310], %parallel_loop3A_313 {strides = array<i32>} : memref<4x200x64xf32, #tpu.memory_space<vmem>>, vector<1x1x16xf32>,
        %parallel_loop3A_314 = arith.constant 1 : i32
        %parallel_loop3A_315 = arith.index_cast %parallel_loop3A_314 : i32 to index
        %parallel_loop3A_316 = arith.index_cast %parallel_loop3A_281 : i32 to index
        %parallel_loop3A_317 = arith.constant 32 : index
        %parallel_loop3A_318 = tpu.vector_load %arg6[%parallel_loop3A_315, %parallel_loop3A_316, %parallel_loop3A_317] {strides = array<i32>} : memref<4x200x64xf32, #tpu.memory_space<vmem>>, vector<1x1x16xf32>,
        %parallel_loop3A_319 = vector.shape_cast %parallel_loop3A_318 : vector<1x1x16xf32> to vector<16xf32>
        %parallel_loop3A_320 = arith.constant 8.000000e+00 : f32
        %parallel_loop3A_321 = vector.broadcast %parallel_loop3A_320 : f32 to vector<16xf32>
        %parallel_loop3A_322 = arith.mulf %parallel_loop3A_319, %parallel_loop3A_321 : vector<16xf32>
        %parallel_loop3A_323 = arith.constant 1 : i32
        %parallel_loop3A_324 = arith.index_cast %parallel_loop3A_323 : i32 to index
        %parallel_loop3A_325 = arith.index_cast %parallel_loop3A_281 : i32 to index
        %parallel_loop3A_326 = arith.constant 32 : index
        %parallel_loop3A_327 = tpu.vector_load %arg6[%parallel_loop3A_324, %parallel_loop3A_325, %parallel_loop3A_326] {strides = array<i32>} : memref<4x200x64xf32, #tpu.memory_space<vmem>>, vector<1x1x16xf32>,
        %parallel_loop3A_328 = vector.shape_cast %parallel_loop3A_327 : vector<1x1x16xf32> to vector<16xf32>
        %parallel_loop3A_329 = vector.shape_cast %parallel_loop3A_322 : vector<16xf32> to vector<1x1x16xf32>
        tpu.vector_store %arg6[%parallel_loop3A_324, %parallel_loop3A_325, %parallel_loop3A_326], %parallel_loop3A_329 {strides = array<i32>} : memref<4x200x64xf32, #tpu.memory_space<vmem>>, vector<1x1x16xf32>,
        %parallel_loop3A_330 = arith.constant 1 : i32
        %parallel_loop3A_331 = arith.index_cast %parallel_loop3A_330 : i32 to index
        %parallel_loop3A_332 = arith.index_cast %parallel_loop3A_281 : i32 to index
        %parallel_loop3A_333 = arith.constant 48 : index
        %parallel_loop3A_334 = tpu.vector_load %arg6[%parallel_loop3A_331, %parallel_loop3A_332, %parallel_loop3A_333] {strides = array<i32>} : memref<4x200x64xf32, #tpu.memory_space<vmem>>, vector<1x1x16xf32>,
        %parallel_loop3A_335 = vector.shape_cast %parallel_loop3A_334 : vector<1x1x16xf32> to vector<16xf32>
        %parallel_loop3A_336 = arith.constant 8.000000e+00 : f32
        %parallel_loop3A_337 = vector.broadcast %parallel_loop3A_336 : f32 to vector<16xf32>
        %parallel_loop3A_338 = arith.mulf %parallel_loop3A_335, %parallel_loop3A_337 : vector<16xf32>
        %parallel_loop3A_339 = arith.constant 1 : i32
        %parallel_loop3A_340 = arith.index_cast %parallel_loop3A_339 : i32 to index
        %parallel_loop3A_341 = arith.index_cast %parallel_loop3A_281 : i32 to index
        %parallel_loop3A_342 = arith.constant 48 : index
        %parallel_loop3A_343 = tpu.vector_load %arg6[%parallel_loop3A_340, %parallel_loop3A_341, %parallel_loop3A_342] {strides = array<i32>} : memref<4x200x64xf32, #tpu.memory_space<vmem>>, vector<1x1x16xf32>,
        %parallel_loop3A_344 = vector.shape_cast %parallel_loop3A_343 : vector<1x1x16xf32> to vector<16xf32>
        %parallel_loop3A_345 = vector.shape_cast %parallel_loop3A_338 : vector<16xf32> to vector<1x1x16xf32>
        tpu.vector_store %arg6[%parallel_loop3A_340, %parallel_loop3A_341, %parallel_loop3A_342], %parallel_loop3A_345 {strides = array<i32>} : memref<4x200x64xf32, #tpu.memory_space<vmem>>, vector<1x1x16xf32>,
      } {sc.loop_unroll_factor = 8 : i64, sc.parallel_access}
      %add3A_172 = arith.addi %mul3A_4, %add3A_158 : i32
      %dma_start3A_173 = arith.constant 1 : i32
      %dma_start3A_174 = arith.constant 0 : i32
      %dma_start3A_175 = arith.constant 0 : i32
      %dma_start3A_176 = tpu.memref_slice %arg6[%dma_start3A_173, %dma_start3A_174, %dma_start3A_175] : memref<4x200x64xf32, #tpu.memory_space<vmem>> -> memref<1x200x64xf32, #tpu.memory_space<vmem>>
      %dma_start3A_177 = tpu.memref_squeeze %dma_start3A_176 : memref<1x200x64xf32, #tpu.memory_space<vmem>> -> memref<200x64xf32, #tpu.memory_space<vmem>>
      %dma_start3A_178 = arith.constant 0 : i32
      %dma_start3A_179 = arith.constant 0 : i32
      %dma_start3A_180 = tpu.memref_slice %arg4[%add3A_172, %dma_start3A_178, %dma_start3A_179] : memref<4096x200x64xf32, #tpu.memory_space<hbm>> -> memref<1x200x64xf32, #tpu.memory_space<hbm>>
      %dma_start3A_181 = tpu.memref_squeeze %dma_start3A_180 : memref<1x200x64xf32, #tpu.memory_space<hbm>> -> memref<200x64xf32, #tpu.memory_space<hbm>>
      %dma_start3A_182 = arith.constant 0 : i32
      %dma_start3A_183 = arith.constant 0 : i32
      %dma_start3A_184 = tpu.memref_slice %arg4[%add3A_172, %dma_start3A_182, %dma_start3A_183] : memref<4096x200x64xf32, #tpu.memory_space<hbm>> -> memref<1x200x64xf32, #tpu.memory_space<hbm>>
      %dma_start3A_185 = tpu.memref_squeeze %dma_start3A_184 : memref<1x200x64xf32, #tpu.memory_space<hbm>> -> memref<200x64xf32, #tpu.memory_space<hbm>>
      %dma_start3A_186 = arith.constant 0 : i32
      %dma_start3A_187 = arith.constant 0 : i32
      %dma_start3A_188 = tpu.memref_slice %arg6[%dma_start3A_173, %dma_start3A_186, %dma_start3A_187] : memref<4x200x64xf32, #tpu.memory_space<vmem>> -> memref<1x200x64xf32, #tpu.memory_space<vmem>>
      %dma_start3A_189 = tpu.memref_squeeze %dma_start3A_188 : memref<1x200x64xf32, #tpu.memory_space<vmem>> -> memref<200x64xf32, #tpu.memory_space<vmem>>
      tpu.enqueue_dma source(%dma_start3A_189 : memref<200x64xf32, #tpu.memory_space<vmem>>) target(%dma_start3A_185 : memref<200x64xf32, #tpu.memory_space<hbm>>) target_semaphore(%arg12 : memref<!tpu.dma_semaphore, #tpu.memory_space<semaphore_mem>>)
      %add3A_190 = arith.constant 2 : i32
      %add3A_191 = arith.addi %add3A_158, %add3A_190 : i32
      %lt3A_192 = arith.constant 128 : i32
      %lt3A_193 = arith.cmpi slt, %add3A_191, %lt3A_192 : i32
      %convert_element_type3A_194 = arith.extui %lt3A_193 : i1 to i32
      %cond3A_195 = arith.constant 0 : i32
      %cond3A_196 = arith.cmpi ne, %convert_element_type3A_194, %cond3A_195 : i32
      scf.if %cond3A_196 {
        %ge3A = arith.constant 2 : i32
        %ge3A_281 = arith.cmpi sge, %add3A_158, %ge3A : i32
        %convert_element_type3A_282 = arith.extui %ge3A_281 : i1 to i32
        %cond3A_283 = arith.constant 0 : i32
        %cond3A_284 = arith.cmpi ne, %convert_element_type3A_282, %cond3A_283 : i32
        scf.if %cond3A_284 {
          %dma_wait3A_313 = arith.constant 3 : i32
          %dma_wait3A_314 = arith.constant 0 : i32
          %dma_wait3A_315 = arith.constant 0 : i32
          %dma_wait3A_316 = tpu.memref_slice %arg6[%dma_wait3A_313, %dma_wait3A_314, %dma_wait3A_315] : memref<4x200x64xf32, #tpu.memory_space<vmem>> -> memref<1x200x64xf32, #tpu.memory_space<vmem>>
          %dma_wait3A_317 = tpu.memref_squeeze %dma_wait3A_316 : memref<1x200x64xf32, #tpu.memory_space<vmem>> -> memref<200x64xf32, #tpu.memory_space<vmem>>
          %dma_wait3A_318 = arith.constant 0 : i32
          %dma_wait3A_319 = arith.constant 0 : i32
          %dma_wait3A_320 = tpu.memref_slice %arg4[%mul3A_4, %dma_wait3A_318, %dma_wait3A_319] : memref<4096x200x64xf32, #tpu.memory_space<hbm>> -> memref<1x200x64xf32, #tpu.memory_space<hbm>>
          %dma_wait3A_321 = tpu.memref_squeeze %dma_wait3A_320 : memref<1x200x64xf32, #tpu.memory_space<hbm>> -> memref<200x64xf32, #tpu.memory_space<hbm>>
          %dma_wait3A_322 = arith.constant 0 : i32
          %dma_wait3A_323 = arith.constant 0 : i32
          %dma_wait3A_324 = tpu.memref_slice %arg4[%mul3A_4, %dma_wait3A_322, %dma_wait3A_323] : memref<4096x200x64xf32, #tpu.memory_space<hbm>> -> memref<1x200x64xf32, #tpu.memory_space<hbm>>
          %dma_wait3A_325 = tpu.memref_squeeze %dma_wait3A_324 : memref<1x200x64xf32, #tpu.memory_space<hbm>> -> memref<200x64xf32, #tpu.memory_space<hbm>>
          %dma_wait3A_326 = arith.constant 0 : i32
          %dma_wait3A_327 = arith.constant 0 : i32
          %dma_wait3A_328 = tpu.memref_slice %arg6[%dma_wait3A_313, %dma_wait3A_326, %dma_wait3A_327] : memref<4x200x64xf32, #tpu.memory_space<vmem>> -> memref<1x200x64xf32, #tpu.memory_space<vmem>>
          %dma_wait3A_329 = tpu.memref_squeeze %dma_wait3A_328 : memref<1x200x64xf32, #tpu.memory_space<vmem>> -> memref<200x64xf32, #tpu.memory_space<vmem>>
          tpu.wait_dma2 semaphore(%arg14 : memref<!tpu.dma_semaphore, #tpu.memory_space<semaphore_mem>>) src(%dma_wait3A_329 : memref<200x64xf32, #tpu.memory_space<vmem>>) dst(%dma_wait3A_325 : memref<200x64xf32, #tpu.memory_space<hbm>>)
        } else {
        }
        %add3A_285 = arith.constant 2 : i32
        %add3A_286 = arith.addi %add3A_158, %add3A_285 : i32
        %mul3A_287 = arith.constant 200 : i32
        %mul3A_288 = arith.muli %add3A_286, %mul3A_287 : i32
        %add3A_289 = arith.constant 0 : i32
        %add3A_290 = arith.addi %mul3A_288, %add3A_289 : i32
        %dma_start3A_291 = arith.constant 3 : i32
        %dma_start3A_292 = arith.constant 0 : i32
        %dma_start3A_293 = arith.constant 0 : i32
        %dma_start3A_294 = tpu.memref_slice %arg6[%dma_start3A_291, %dma_start3A_292, %dma_start3A_293] : memref<4x200x64xf32, #tpu.memory_space<vmem>> -> memref<1x104x64xf32, #tpu.memory_space<vmem>>
        %dma_start3A_295 = tpu.memref_squeeze %dma_start3A_294 : memref<1x104x64xf32, #tpu.memory_space<vmem>> -> memref<104x64xf32, #tpu.memory_space<vmem>>
        %dma_start3A_296 = tpu.memref_slice %arg5[%add3A_290] : memref<25600xi32, #tpu.memory_space<vmem>> -> memref<104xi32, #tpu.memory_space<vmem>>
        %dma_start3A_297 = arith.constant 0 : i32
        %dma_start3A_298 = arith.constant 0 : i32
        %dma_start3A_299 = tpu.memref_slice %arg3[%dma_start3A_297, %dma_start3A_298] : memref<1000000x64xf32, #tpu.memory_space<hbm>> -> memref<1000000x64xf32, #tpu.memory_space<hbm>>
        tpu.enqueue_indirect_dma source(%dma_start3A_299 : memref<1000000x64xf32, #tpu.memory_space<hbm>>) target(%dma_start3A_295 : memref<104x64xf32, #tpu.memory_space<vmem>>) offsets(%dma_start3A_296 : memref<104xi32, #tpu.memory_space<vmem>>) semaphore(%arg10 : memref<!tpu.dma_semaphore, #tpu.memory_space<semaphore_mem>>)
        %mul3A_300 = arith.constant 200 : i32
        %mul3A_301 = arith.muli %add3A_286, %mul3A_300 : i32
        %add3A_302 = arith.constant 104 : i32
        %add3A_303 = arith.addi %mul3A_301, %add3A_302 : i32
        %dma_start3A_304 = arith.constant 3 : i32
        %dma_start3A_305 = arith.constant 104 : i32
        %dma_start3A_306 = arith.constant 0 : i32
        %dma_start3A_307 = tpu.memref_slice %arg6[%dma_start3A_304, %dma_start3A_305, %dma_start3A_306] : memref<4x200x64xf32, #tpu.memory_space<vmem>> -> memref<1x96x64xf32, #tpu.memory_space<vmem>>
        %dma_start3A_308 = tpu.memref_squeeze %dma_start3A_307 : memref<1x96x64xf32, #tpu.memory_space<vmem>> -> memref<96x64xf32, #tpu.memory_space<vmem>>
        %dma_start3A_309 = tpu.memref_slice %arg5[%add3A_303] : memref<25600xi32, #tpu.memory_space<vmem>> -> memref<96xi32, #tpu.memory_space<vmem>>
        %dma_start3A_310 = arith.constant 0 : i32
        %dma_start3A_311 = arith.constant 0 : i32
        %dma_start3A_312 = tpu.memref_slice %arg3[%dma_start3A_310, %dma_start3A_311] : memref<1000000x64xf32, #tpu.memory_space<hbm>> -> memref<1000000x64xf32, #tpu.memory_space<hbm>>
        tpu.enqueue_indirect_dma source(%dma_start3A_312 : memref<1000000x64xf32, #tpu.memory_space<hbm>>) target(%dma_start3A_308 : memref<96x64xf32, #tpu.memory_space<vmem>>) offsets(%dma_start3A_309 : memref<96xi32, #tpu.memory_space<vmem>>) semaphore(%arg10 : memref<!tpu.dma_semaphore, #tpu.memory_space<semaphore_mem>>)
      } else {
      }
      %mul3A_197 = arith.constant 4 : i32
      %mul3A_198 = arith.muli %mul3A_197, %scan3A_116 : i32
      %add3A_199 = arith.constant 2 : i32
      %add3A_200 = arith.addi %mul3A_198, %add3A_199 : i32
      %dma_wait3A_201 = arith.constant 2 : i32
      %dma_wait3A_202 = arith.constant 0 : i32
      %dma_wait3A_203 = arith.constant 0 : i32
      %dma_wait3A_204 = tpu.memref_slice %arg6[%dma_wait3A_201, %dma_wait3A_202, %dma_wait3A_203] : memref<4x200x64xf32, #tpu.memory_space<vmem>> -> memref<1x200x64xf32, #tpu.memory_space<vmem>>
      %dma_wait3A_205 = tpu.memref_squeeze %dma_wait3A_204 : memref<1x200x64xf32, #tpu.memory_space<vmem>> -> memref<200x64xf32, #tpu.memory_space<vmem>>
      %dma_wait3A_206 = arith.constant 0 : i32
      %dma_wait3A_207 = tpu.memref_slice %arg5[%dma_wait3A_206] : memref<25600xi32, #tpu.memory_space<vmem>> -> memref<200xi32, #tpu.memory_space<vmem>>
      %dma_wait3A_208 = arith.constant 0 : i32
      %dma_wait3A_209 = arith.constant 0 : i32
      %dma_wait3A_210 = tpu.memref_slice %arg3[%dma_wait3A_208, %dma_wait3A_209] : memref<1000000x64xf32, #tpu.memory_space<hbm>> -> memref<1000000x64xf32, #tpu.memory_space<hbm>>
      tpu.wait_indirect_dma semaphore(%arg9 : memref<!tpu.dma_semaphore, #tpu.memory_space<semaphore_mem>>) src(%dma_wait3A_210 : memref<1000000x64xf32, #tpu.memory_space<hbm>>) dst(%dma_wait3A_205 : memref<200x64xf32, #tpu.memory_space<vmem>>)
      %parallel_loop3A_211 = arith.constant 0 : i32
      %parallel_loop3A_212 = arith.constant 200 : i32
      %parallel_loop3A_213 = arith.constant 1 : i32
      scf.for %parallel_loop3A_281 = %parallel_loop3A_211 to %parallel_loop3A_212 step %parallel_loop3A_213  : i32 {
        %parallel_loop3A_282 = arith.constant 2 : i32
        %parallel_loop3A_283 = arith.index_cast %parallel_loop3A_282 : i32 to index
        %parallel_loop3A_284 = arith.index_cast %parallel_loop3A_281 : i32 to index
        %parallel_loop3A_285 = arith.constant 0 : index
        %parallel_loop3A_286 = tpu.vector_load %arg6[%parallel_loop3A_283, %parallel_loop3A_284, %parallel_loop3A_285] {strides = array<i32>} : memref<4x200x64xf32, #tpu.memory_space<vmem>>, vector<1x1x16xf32>,
        %parallel_loop3A_287 = vector.shape_cast %parallel_loop3A_286 : vector<1x1x16xf32> to vector<16xf32>
        %parallel_loop3A_288 = arith.constant 8.000000e+00 : f32
        %parallel_loop3A_289 = vector.broadcast %parallel_loop3A_288 : f32 to vector<16xf32>
        %parallel_loop3A_290 = arith.mulf %parallel_loop3A_287, %parallel_loop3A_289 : vector<16xf32>
        %parallel_loop3A_291 = arith.constant 2 : i32
        %parallel_loop3A_292 = arith.index_cast %parallel_loop3A_291 : i32 to index
        %parallel_loop3A_293 = arith.index_cast %parallel_loop3A_281 : i32 to index
        %parallel_loop3A_294 = arith.constant 0 : index
        %parallel_loop3A_295 = tpu.vector_load %arg6[%parallel_loop3A_292, %parallel_loop3A_293, %parallel_loop3A_294] {strides = array<i32>} : memref<4x200x64xf32, #tpu.memory_space<vmem>>, vector<1x1x16xf32>,
        %parallel_loop3A_296 = vector.shape_cast %parallel_loop3A_295 : vector<1x1x16xf32> to vector<16xf32>
        %parallel_loop3A_297 = vector.shape_cast %parallel_loop3A_290 : vector<16xf32> to vector<1x1x16xf32>
        tpu.vector_store %arg6[%parallel_loop3A_292, %parallel_loop3A_293, %parallel_loop3A_294], %parallel_loop3A_297 {strides = array<i32>} : memref<4x200x64xf32, #tpu.memory_space<vmem>>, vector<1x1x16xf32>,
        %parallel_loop3A_298 = arith.constant 2 : i32
        %parallel_loop3A_299 = arith.index_cast %parallel_loop3A_298 : i32 to index
        %parallel_loop3A_300 = arith.index_cast %parallel_loop3A_281 : i32 to index
        %parallel_loop3A_301 = arith.constant 16 : index
        %parallel_loop3A_302 = tpu.vector_load %arg6[%parallel_loop3A_299, %parallel_loop3A_300, %parallel_loop3A_301] {strides = array<i32>} : memref<4x200x64xf32, #tpu.memory_space<vmem>>, vector<1x1x16xf32>,
        %parallel_loop3A_303 = vector.shape_cast %parallel_loop3A_302 : vector<1x1x16xf32> to vector<16xf32>
        %parallel_loop3A_304 = arith.constant 8.000000e+00 : f32
        %parallel_loop3A_305 = vector.broadcast %parallel_loop3A_304 : f32 to vector<16xf32>
        %parallel_loop3A_306 = arith.mulf %parallel_loop3A_303, %parallel_loop3A_305 : vector<16xf32>
        %parallel_loop3A_307 = arith.constant 2 : i32
        %parallel_loop3A_308 = arith.index_cast %parallel_loop3A_307 : i32 to index
        %parallel_loop3A_309 = arith.index_cast %parallel_loop3A_281 : i32 to index
        %parallel_loop3A_310 = arith.constant 16 : index
        %parallel_loop3A_311 = tpu.vector_load %arg6[%parallel_loop3A_308, %parallel_loop3A_309, %parallel_loop3A_310] {strides = array<i32>} : memref<4x200x64xf32, #tpu.memory_space<vmem>>, vector<1x1x16xf32>,
        %parallel_loop3A_312 = vector.shape_cast %parallel_loop3A_311 : vector<1x1x16xf32> to vector<16xf32>
        %parallel_loop3A_313 = vector.shape_cast %parallel_loop3A_306 : vector<16xf32> to vector<1x1x16xf32>
        tpu.vector_store %arg6[%parallel_loop3A_308, %parallel_loop3A_309, %parallel_loop3A_310], %parallel_loop3A_313 {strides = array<i32>} : memref<4x200x64xf32, #tpu.memory_space<vmem>>, vector<1x1x16xf32>,
        %parallel_loop3A_314 = arith.constant 2 : i32
        %parallel_loop3A_315 = arith.index_cast %parallel_loop3A_314 : i32 to index
        %parallel_loop3A_316 = arith.index_cast %parallel_loop3A_281 : i32 to index
        %parallel_loop3A_317 = arith.constant 32 : index
        %parallel_loop3A_318 = tpu.vector_load %arg6[%parallel_loop3A_315, %parallel_loop3A_316, %parallel_loop3A_317] {strides = array<i32>} : memref<4x200x64xf32, #tpu.memory_space<vmem>>, vector<1x1x16xf32>,
        %parallel_loop3A_319 = vector.shape_cast %parallel_loop3A_318 : vector<1x1x16xf32> to vector<16xf32>
        %parallel_loop3A_320 = arith.constant 8.000000e+00 : f32
        %parallel_loop3A_321 = vector.broadcast %parallel_loop3A_320 : f32 to vector<16xf32>
        %parallel_loop3A_322 = arith.mulf %parallel_loop3A_319, %parallel_loop3A_321 : vector<16xf32>
        %parallel_loop3A_323 = arith.constant 2 : i32
        %parallel_loop3A_324 = arith.index_cast %parallel_loop3A_323 : i32 to index
        %parallel_loop3A_325 = arith.index_cast %parallel_loop3A_281 : i32 to index
        %parallel_loop3A_326 = arith.constant 32 : index
        %parallel_loop3A_327 = tpu.vector_load %arg6[%parallel_loop3A_324, %parallel_loop3A_325, %parallel_loop3A_326] {strides = array<i32>} : memref<4x200x64xf32, #tpu.memory_space<vmem>>, vector<1x1x16xf32>,
        %parallel_loop3A_328 = vector.shape_cast %parallel_loop3A_327 : vector<1x1x16xf32> to vector<16xf32>
        %parallel_loop3A_329 = vector.shape_cast %parallel_loop3A_322 : vector<16xf32> to vector<1x1x16xf32>
        tpu.vector_store %arg6[%parallel_loop3A_324, %parallel_loop3A_325, %parallel_loop3A_326], %parallel_loop3A_329 {strides = array<i32>} : memref<4x200x64xf32, #tpu.memory_space<vmem>>, vector<1x1x16xf32>,
        %parallel_loop3A_330 = arith.constant 2 : i32
        %parallel_loop3A_331 = arith.index_cast %parallel_loop3A_330 : i32 to index
        %parallel_loop3A_332 = arith.index_cast %parallel_loop3A_281 : i32 to index
        %parallel_loop3A_333 = arith.constant 48 : index
        %parallel_loop3A_334 = tpu.vector_load %arg6[%parallel_loop3A_331, %parallel_loop3A_332, %parallel_loop3A_333] {strides = array<i32>} : memref<4x200x64xf32, #tpu.memory_space<vmem>>, vector<1x1x16xf32>,
        %parallel_loop3A_335 = vector.shape_cast %parallel_loop3A_334 : vector<1x1x16xf32> to vector<16xf32>
        %parallel_loop3A_336 = arith.constant 8.000000e+00 : f32
        %parallel_loop3A_337 = vector.broadcast %parallel_loop3A_336 : f32 to vector<16xf32>
        %parallel_loop3A_338 = arith.mulf %parallel_loop3A_335, %parallel_loop3A_337 : vector<16xf32>
        %parallel_loop3A_339 = arith.constant 2 : i32
        %parallel_loop3A_340 = arith.index_cast %parallel_loop3A_339 : i32 to index
        %parallel_loop3A_341 = arith.index_cast %parallel_loop3A_281 : i32 to index
        %parallel_loop3A_342 = arith.constant 48 : index
        %parallel_loop3A_343 = tpu.vector_load %arg6[%parallel_loop3A_340, %parallel_loop3A_341, %parallel_loop3A_342] {strides = array<i32>} : memref<4x200x64xf32, #tpu.memory_space<vmem>>, vector<1x1x16xf32>,
        %parallel_loop3A_344 = vector.shape_cast %parallel_loop3A_343 : vector<1x1x16xf32> to vector<16xf32>
        %parallel_loop3A_345 = vector.shape_cast %parallel_loop3A_338 : vector<16xf32> to vector<1x1x16xf32>
        tpu.vector_store %arg6[%parallel_loop3A_340, %parallel_loop3A_341, %parallel_loop3A_342], %parallel_loop3A_345 {strides = array<i32>} : memref<4x200x64xf32, #tpu.memory_space<vmem>>, vector<1x1x16xf32>,
      } {sc.loop_unroll_factor = 8 : i64, sc.parallel_access}
      %add3A_214 = arith.addi %mul3A_4, %add3A_200 : i32
      %dma_start3A_215 = arith.constant 2 : i32
      %dma_start3A_216 = arith.constant 0 : i32
      %dma_start3A_217 = arith.constant 0 : i32
      %dma_start3A_218 = tpu.memref_slice %arg6[%dma_start3A_215, %dma_start3A_216, %dma_start3A_217] : memref<4x200x64xf32, #tpu.memory_space<vmem>> -> memref<1x200x64xf32, #tpu.memory_space<vmem>>
      %dma_start3A_219 = tpu.memref_squeeze %dma_start3A_218 : memref<1x200x64xf32, #tpu.memory_space<vmem>> -> memref<200x64xf32, #tpu.memory_space<vmem>>
      %dma_start3A_220 = arith.constant 0 : i32
      %dma_start3A_221 = arith.constant 0 : i32
      %dma_start3A_222 = tpu.memref_slice %arg4[%add3A_214, %dma_start3A_220, %dma_start3A_221] : memref<4096x200x64xf32, #tpu.memory_space<hbm>> -> memref<1x200x64xf32, #tpu.memory_space<hbm>>
      %dma_start3A_223 = tpu.memref_squeeze %dma_start3A_222 : memref<1x200x64xf32, #tpu.memory_space<hbm>> -> memref<200x64xf32, #tpu.memory_space<hbm>>
      %dma_start3A_224 = arith.constant 0 : i32
      %dma_start3A_225 = arith.constant 0 : i32
      %dma_start3A_226 = tpu.memref_slice %arg4[%add3A_214, %dma_start3A_224, %dma_start3A_225] : memref<4096x200x64xf32, #tpu.memory_space<hbm>> -> memref<1x200x64xf32, #tpu.memory_space<hbm>>
      %dma_start3A_227 = tpu.memref_squeeze %dma_start3A_226 : memref<1x200x64xf32, #tpu.memory_space<hbm>> -> memref<200x64xf32, #tpu.memory_space<hbm>>
      %dma_start3A_228 = arith.constant 0 : i32
      %dma_start3A_229 = arith.constant 0 : i32
      %dma_start3A_230 = tpu.memref_slice %arg6[%dma_start3A_215, %dma_start3A_228, %dma_start3A_229] : memref<4x200x64xf32, #tpu.memory_space<vmem>> -> memref<1x200x64xf32, #tpu.memory_space<vmem>>
      %dma_start3A_231 = tpu.memref_squeeze %dma_start3A_230 : memref<1x200x64xf32, #tpu.memory_space<vmem>> -> memref<200x64xf32, #tpu.memory_space<vmem>>
      tpu.enqueue_dma source(%dma_start3A_231 : memref<200x64xf32, #tpu.memory_space<vmem>>) target(%dma_start3A_227 : memref<200x64xf32, #tpu.memory_space<hbm>>) target_semaphore(%arg13 : memref<!tpu.dma_semaphore, #tpu.memory_space<semaphore_mem>>)
      %add3A_232 = arith.constant 2 : i32
      %add3A_233 = arith.addi %add3A_200, %add3A_232 : i32
      %lt3A_234 = arith.constant 128 : i32
      %lt3A_235 = arith.cmpi slt, %add3A_233, %lt3A_234 : i32
      %convert_element_type3A_236 = arith.extui %lt3A_235 : i1 to i32
      %cond3A_237 = arith.constant 0 : i32
      %cond3A_238 = arith.cmpi ne, %convert_element_type3A_236, %cond3A_237 : i32
      scf.if %cond3A_238 {
        %ge3A = arith.constant 2 : i32
        %ge3A_281 = arith.cmpi sge, %add3A_200, %ge3A : i32
        %convert_element_type3A_282 = arith.extui %ge3A_281 : i1 to i32
        %cond3A_283 = arith.constant 0 : i32
        %cond3A_284 = arith.cmpi ne, %convert_element_type3A_282, %cond3A_283 : i32
        scf.if %cond3A_284 {
          %dma_wait3A_313 = arith.constant 0 : i32
          %dma_wait3A_314 = arith.constant 0 : i32
          %dma_wait3A_315 = arith.constant 0 : i32
          %dma_wait3A_316 = tpu.memref_slice %arg6[%dma_wait3A_313, %dma_wait3A_314, %dma_wait3A_315] : memref<4x200x64xf32, #tpu.memory_space<vmem>> -> memref<1x200x64xf32, #tpu.memory_space<vmem>>
          %dma_wait3A_317 = tpu.memref_squeeze %dma_wait3A_316 : memref<1x200x64xf32, #tpu.memory_space<vmem>> -> memref<200x64xf32, #tpu.memory_space<vmem>>
          %dma_wait3A_318 = arith.constant 0 : i32
          %dma_wait3A_319 = arith.constant 0 : i32
          %dma_wait3A_320 = tpu.memref_slice %arg4[%mul3A_4, %dma_wait3A_318, %dma_wait3A_319] : memref<4096x200x64xf32, #tpu.memory_space<hbm>> -> memref<1x200x64xf32, #tpu.memory_space<hbm>>
          %dma_wait3A_321 = tpu.memref_squeeze %dma_wait3A_320 : memref<1x200x64xf32, #tpu.memory_space<hbm>> -> memref<200x64xf32, #tpu.memory_space<hbm>>
          %dma_wait3A_322 = arith.constant 0 : i32
          %dma_wait3A_323 = arith.constant 0 : i32
          %dma_wait3A_324 = tpu.memref_slice %arg4[%mul3A_4, %dma_wait3A_322, %dma_wait3A_323] : memref<4096x200x64xf32, #tpu.memory_space<hbm>> -> memref<1x200x64xf32, #tpu.memory_space<hbm>>
          %dma_wait3A_325 = tpu.memref_squeeze %dma_wait3A_324 : memref<1x200x64xf32, #tpu.memory_space<hbm>> -> memref<200x64xf32, #tpu.memory_space<hbm>>
          %dma_wait3A_326 = arith.constant 0 : i32
          %dma_wait3A_327 = arith.constant 0 : i32
          %dma_wait3A_328 = tpu.memref_slice %arg6[%dma_wait3A_313, %dma_wait3A_326, %dma_wait3A_327] : memref<4x200x64xf32, #tpu.memory_space<vmem>> -> memref<1x200x64xf32, #tpu.memory_space<vmem>>
          %dma_wait3A_329 = tpu.memref_squeeze %dma_wait3A_328 : memref<1x200x64xf32, #tpu.memory_space<vmem>> -> memref<200x64xf32, #tpu.memory_space<vmem>>
          tpu.wait_dma2 semaphore(%arg11 : memref<!tpu.dma_semaphore, #tpu.memory_space<semaphore_mem>>) src(%dma_wait3A_329 : memref<200x64xf32, #tpu.memory_space<vmem>>) dst(%dma_wait3A_325 : memref<200x64xf32, #tpu.memory_space<hbm>>)
        } else {
        }
        %add3A_285 = arith.constant 2 : i32
        %add3A_286 = arith.addi %add3A_200, %add3A_285 : i32
        %mul3A_287 = arith.constant 200 : i32
        %mul3A_288 = arith.muli %add3A_286, %mul3A_287 : i32
        %add3A_289 = arith.constant 0 : i32
        %add3A_290 = arith.addi %mul3A_288, %add3A_289 : i32
        %dma_start3A_291 = arith.constant 0 : i32
        %dma_start3A_292 = arith.constant 0 : i32
        %dma_start3A_293 = arith.constant 0 : i32
        %dma_start3A_294 = tpu.memref_slice %arg6[%dma_start3A_291, %dma_start3A_292, %dma_start3A_293] : memref<4x200x64xf32, #tpu.memory_space<vmem>> -> memref<1x104x64xf32, #tpu.memory_space<vmem>>
        %dma_start3A_295 = tpu.memref_squeeze %dma_start3A_294 : memref<1x104x64xf32, #tpu.memory_space<vmem>> -> memref<104x64xf32, #tpu.memory_space<vmem>>
        %dma_start3A_296 = tpu.memref_slice %arg5[%add3A_290] : memref<25600xi32, #tpu.memory_space<vmem>> -> memref<104xi32, #tpu.memory_space<vmem>>
        %dma_start3A_297 = arith.constant 0 : i32
        %dma_start3A_298 = arith.constant 0 : i32
        %dma_start3A_299 = tpu.memref_slice %arg3[%dma_start3A_297, %dma_start3A_298] : memref<1000000x64xf32, #tpu.memory_space<hbm>> -> memref<1000000x64xf32, #tpu.memory_space<hbm>>
        tpu.enqueue_indirect_dma source(%dma_start3A_299 : memref<1000000x64xf32, #tpu.memory_space<hbm>>) target(%dma_start3A_295 : memref<104x64xf32, #tpu.memory_space<vmem>>) offsets(%dma_start3A_296 : memref<104xi32, #tpu.memory_space<vmem>>) semaphore(%arg7 : memref<!tpu.dma_semaphore, #tpu.memory_space<semaphore_mem>>)
        %mul3A_300 = arith.constant 200 : i32
        %mul3A_301 = arith.muli %add3A_286, %mul3A_300 : i32
        %add3A_302 = arith.constant 104 : i32
        %add3A_303 = arith.addi %mul3A_301, %add3A_302 : i32
        %dma_start3A_304 = arith.constant 0 : i32
        %dma_start3A_305 = arith.constant 104 : i32
        %dma_start3A_306 = arith.constant 0 : i32
        %dma_start3A_307 = tpu.memref_slice %arg6[%dma_start3A_304, %dma_start3A_305, %dma_start3A_306] : memref<4x200x64xf32, #tpu.memory_space<vmem>> -> memref<1x96x64xf32, #tpu.memory_space<vmem>>
        %dma_start3A_308 = tpu.memref_squeeze %dma_start3A_307 : memref<1x96x64xf32, #tpu.memory_space<vmem>> -> memref<96x64xf32, #tpu.memory_space<vmem>>
        %dma_start3A_309 = tpu.memref_slice %arg5[%add3A_303] : memref<25600xi32, #tpu.memory_space<vmem>> -> memref<96xi32, #tpu.memory_space<vmem>>
        %dma_start3A_310 = arith.constant 0 : i32
        %dma_start3A_311 = arith.constant 0 : i32
        %dma_start3A_312 = tpu.memref_slice %arg3[%dma_start3A_310, %dma_start3A_311] : memref<1000000x64xf32, #tpu.memory_space<hbm>> -> memref<1000000x64xf32, #tpu.memory_space<hbm>>
        tpu.enqueue_indirect_dma source(%dma_start3A_312 : memref<1000000x64xf32, #tpu.memory_space<hbm>>) target(%dma_start3A_308 : memref<96x64xf32, #tpu.memory_space<vmem>>) offsets(%dma_start3A_309 : memref<96xi32, #tpu.memory_space<vmem>>) semaphore(%arg7 : memref<!tpu.dma_semaphore, #tpu.memory_space<semaphore_mem>>)
      } else {
      }
      %mul3A_239 = arith.constant 4 : i32
      %mul3A_240 = arith.muli %mul3A_239, %scan3A_116 : i32
      %add3A_241 = arith.constant 3 : i32
      %add3A_242 = arith.addi %mul3A_240, %add3A_241 : i32
      %dma_wait3A_243 = arith.constant 3 : i32
      %dma_wait3A_244 = arith.constant 0 : i32
      %dma_wait3A_245 = arith.constant 0 : i32
      %dma_wait3A_246 = tpu.memref_slice %arg6[%dma_wait3A_243, %dma_wait3A_244, %dma_wait3A_245] : memref<4x200x64xf32, #tpu.memory_space<vmem>> -> memref<1x200x64xf32, #tpu.memory_space<vmem>>
      %dma_wait3A_247 = tpu.memref_squeeze %dma_wait3A_246 : memref<1x200x64xf32, #tpu.memory_space<vmem>> -> memref<200x64xf32, #tpu.memory_space<vmem>>
      %dma_wait3A_248 = arith.constant 0 : i32
      %dma_wait3A_249 = tpu.memref_slice %arg5[%dma_wait3A_248] : memref<25600xi32, #tpu.memory_space<vmem>> -> memref<200xi32, #tpu.memory_space<vmem>>
      %dma_wait3A_250 = arith.constant 0 : i32
      %dma_wait3A_251 = arith.constant 0 : i32
      %dma_wait3A_252 = tpu.memref_slice %arg3[%dma_wait3A_250, %dma_wait3A_251] : memref<1000000x64xf32, #tpu.memory_space<hbm>> -> memref<1000000x64xf32, #tpu.memory_space<hbm>>
      tpu.wait_indirect_dma semaphore(%arg10 : memref<!tpu.dma_semaphore, #tpu.memory_space<semaphore_mem>>) src(%dma_wait3A_252 : memref<1000000x64xf32, #tpu.memory_space<hbm>>) dst(%dma_wait3A_247 : memref<200x64xf32, #tpu.memory_space<vmem>>)
      %parallel_loop3A_253 = arith.constant 0 : i32
      %parallel_loop3A_254 = arith.constant 200 : i32
      %parallel_loop3A_255 = arith.constant 1 : i32
      scf.for %parallel_loop3A_281 = %parallel_loop3A_253 to %parallel_loop3A_254 step %parallel_loop3A_255  : i32 {
        %parallel_loop3A_282 = arith.constant 3 : i32
        %parallel_loop3A_283 = arith.index_cast %parallel_loop3A_282 : i32 to index
        %parallel_loop3A_284 = arith.index_cast %parallel_loop3A_281 : i32 to index
        %parallel_loop3A_285 = arith.constant 0 : index
        %parallel_loop3A_286 = tpu.vector_load %arg6[%parallel_loop3A_283, %parallel_loop3A_284, %parallel_loop3A_285] {strides = array<i32>} : memref<4x200x64xf32, #tpu.memory_space<vmem>>, vector<1x1x16xf32>,
        %parallel_loop3A_287 = vector.shape_cast %parallel_loop3A_286 : vector<1x1x16xf32> to vector<16xf32>
        %parallel_loop3A_288 = arith.constant 8.000000e+00 : f32
        %parallel_loop3A_289 = vector.broadcast %parallel_loop3A_288 : f32 to vector<16xf32>
        %parallel_loop3A_290 = arith.mulf %parallel_loop3A_287, %parallel_loop3A_289 : vector<16xf32>
        %parallel_loop3A_291 = arith.constant 3 : i32
        %parallel_loop3A_292 = arith.index_cast %parallel_loop3A_291 : i32 to index
        %parallel_loop3A_293 = arith.index_cast %parallel_loop3A_281 : i32 to index
        %parallel_loop3A_294 = arith.constant 0 : index
        %parallel_loop3A_295 = tpu.vector_load %arg6[%parallel_loop3A_292, %parallel_loop3A_293, %parallel_loop3A_294] {strides = array<i32>} : memref<4x200x64xf32, #tpu.memory_space<vmem>>, vector<1x1x16xf32>,
        %parallel_loop3A_296 = vector.shape_cast %parallel_loop3A_295 : vector<1x1x16xf32> to vector<16xf32>
        %parallel_loop3A_297 = vector.shape_cast %parallel_loop3A_290 : vector<16xf32> to vector<1x1x16xf32>
        tpu.vector_store %arg6[%parallel_loop3A_292, %parallel_loop3A_293, %parallel_loop3A_294], %parallel_loop3A_297 {strides = array<i32>} : memref<4x200x64xf32, #tpu.memory_space<vmem>>, vector<1x1x16xf32>,
        %parallel_loop3A_298 = arith.constant 3 : i32
        %parallel_loop3A_299 = arith.index_cast %parallel_loop3A_298 : i32 to index
        %parallel_loop3A_300 = arith.index_cast %parallel_loop3A_281 : i32 to index
        %parallel_loop3A_301 = arith.constant 16 : index
        %parallel_loop3A_302 = tpu.vector_load %arg6[%parallel_loop3A_299, %parallel_loop3A_300, %parallel_loop3A_301] {strides = array<i32>} : memref<4x200x64xf32, #tpu.memory_space<vmem>>, vector<1x1x16xf32>,
        %parallel_loop3A_303 = vector.shape_cast %parallel_loop3A_302 : vector<1x1x16xf32> to vector<16xf32>
        %parallel_loop3A_304 = arith.constant 8.000000e+00 : f32
        %parallel_loop3A_305 = vector.broadcast %parallel_loop3A_304 : f32 to vector<16xf32>
        %parallel_loop3A_306 = arith.mulf %parallel_loop3A_303, %parallel_loop3A_305 : vector<16xf32>
        %parallel_loop3A_307 = arith.constant 3 : i32
        %parallel_loop3A_308 = arith.index_cast %parallel_loop3A_307 : i32 to index
        %parallel_loop3A_309 = arith.index_cast %parallel_loop3A_281 : i32 to index
        %parallel_loop3A_310 = arith.constant 16 : index
        %parallel_loop3A_311 = tpu.vector_load %arg6[%parallel_loop3A_308, %parallel_loop3A_309, %parallel_loop3A_310] {strides = array<i32>} : memref<4x200x64xf32, #tpu.memory_space<vmem>>, vector<1x1x16xf32>,
        %parallel_loop3A_312 = vector.shape_cast %parallel_loop3A_311 : vector<1x1x16xf32> to vector<16xf32>
        %parallel_loop3A_313 = vector.shape_cast %parallel_loop3A_306 : vector<16xf32> to vector<1x1x16xf32>
        tpu.vector_store %arg6[%parallel_loop3A_308, %parallel_loop3A_309, %parallel_loop3A_310], %parallel_loop3A_313 {strides = array<i32>} : memref<4x200x64xf32, #tpu.memory_space<vmem>>, vector<1x1x16xf32>,
        %parallel_loop3A_314 = arith.constant 3 : i32
        %parallel_loop3A_315 = arith.index_cast %parallel_loop3A_314 : i32 to index
        %parallel_loop3A_316 = arith.index_cast %parallel_loop3A_281 : i32 to index
        %parallel_loop3A_317 = arith.constant 32 : index
        %parallel_loop3A_318 = tpu.vector_load %arg6[%parallel_loop3A_315, %parallel_loop3A_316, %parallel_loop3A_317] {strides = array<i32>} : memref<4x200x64xf32, #tpu.memory_space<vmem>>, vector<1x1x16xf32>,
        %parallel_loop3A_319 = vector.shape_cast %parallel_loop3A_318 : vector<1x1x16xf32> to vector<16xf32>
        %parallel_loop3A_320 = arith.constant 8.000000e+00 : f32
        %parallel_loop3A_321 = vector.broadcast %parallel_loop3A_320 : f32 to vector<16xf32>
        %parallel_loop3A_322 = arith.mulf %parallel_loop3A_319, %parallel_loop3A_321 : vector<16xf32>
        %parallel_loop3A_323 = arith.constant 3 : i32
        %parallel_loop3A_324 = arith.index_cast %parallel_loop3A_323 : i32 to index
        %parallel_loop3A_325 = arith.index_cast %parallel_loop3A_281 : i32 to index
        %parallel_loop3A_326 = arith.constant 32 : index
        %parallel_loop3A_327 = tpu.vector_load %arg6[%parallel_loop3A_324, %parallel_loop3A_325, %parallel_loop3A_326] {strides = array<i32>} : memref<4x200x64xf32, #tpu.memory_space<vmem>>, vector<1x1x16xf32>,
        %parallel_loop3A_328 = vector.shape_cast %parallel_loop3A_327 : vector<1x1x16xf32> to vector<16xf32>
        %parallel_loop3A_329 = vector.shape_cast %parallel_loop3A_322 : vector<16xf32> to vector<1x1x16xf32>
        tpu.vector_store %arg6[%parallel_loop3A_324, %parallel_loop3A_325, %parallel_loop3A_326], %parallel_loop3A_329 {strides = array<i32>} : memref<4x200x64xf32, #tpu.memory_space<vmem>>, vector<1x1x16xf32>,
        %parallel_loop3A_330 = arith.constant 3 : i32
        %parallel_loop3A_331 = arith.index_cast %parallel_loop3A_330 : i32 to index
        %parallel_loop3A_332 = arith.index_cast %parallel_loop3A_281 : i32 to index
        %parallel_loop3A_333 = arith.constant 48 : index
        %parallel_loop3A_334 = tpu.vector_load %arg6[%parallel_loop3A_331, %parallel_loop3A_332, %parallel_loop3A_333] {strides = array<i32>} : memref<4x200x64xf32, #tpu.memory_space<vmem>>, vector<1x1x16xf32>,
        %parallel_loop3A_335 = vector.shape_cast %parallel_loop3A_334 : vector<1x1x16xf32> to vector<16xf32>
        %parallel_loop3A_336 = arith.constant 8.000000e+00 : f32
        %parallel_loop3A_337 = vector.broadcast %parallel_loop3A_336 : f32 to vector<16xf32>
        %parallel_loop3A_338 = arith.mulf %parallel_loop3A_335, %parallel_loop3A_337 : vector<16xf32>
        %parallel_loop3A_339 = arith.constant 3 : i32
        %parallel_loop3A_340 = arith.index_cast %parallel_loop3A_339 : i32 to index
        %parallel_loop3A_341 = arith.index_cast %parallel_loop3A_281 : i32 to index
        %parallel_loop3A_342 = arith.constant 48 : index
        %parallel_loop3A_343 = tpu.vector_load %arg6[%parallel_loop3A_340, %parallel_loop3A_341, %parallel_loop3A_342] {strides = array<i32>} : memref<4x200x64xf32, #tpu.memory_space<vmem>>, vector<1x1x16xf32>,
        %parallel_loop3A_344 = vector.shape_cast %parallel_loop3A_343 : vector<1x1x16xf32> to vector<16xf32>
        %parallel_loop3A_345 = vector.shape_cast %parallel_loop3A_338 : vector<16xf32> to vector<1x1x16xf32>
        tpu.vector_store %arg6[%parallel_loop3A_340, %parallel_loop3A_341, %parallel_loop3A_342], %parallel_loop3A_345 {strides = array<i32>} : memref<4x200x64xf32, #tpu.memory_space<vmem>>, vector<1x1x16xf32>,
      } {sc.loop_unroll_factor = 8 : i64, sc.parallel_access}
      %add3A_256 = arith.addi %mul3A_4, %add3A_242 : i32
      %dma_start3A_257 = arith.constant 3 : i32
      %dma_start3A_258 = arith.constant 0 : i32
      %dma_start3A_259 = arith.constant 0 : i32
      %dma_start3A_260 = tpu.memref_slice %arg6[%dma_start3A_257, %dma_start3A_258, %dma_start3A_259] : memref<4x200x64xf32, #tpu.memory_space<vmem>> -> memref<1x200x64xf32, #tpu.memory_space<vmem>>
      %dma_start3A_261 = tpu.memref_squeeze %dma_start3A_260 : memref<1x200x64xf32, #tpu.memory_space<vmem>> -> memref<200x64xf32, #tpu.memory_space<vmem>>
      %dma_start3A_262 = arith.constant 0 : i32
      %dma_start3A_263 = arith.constant 0 : i32
      %dma_start3A_264 = tpu.memref_slice %arg4[%add3A_256, %dma_start3A_262, %dma_start3A_263] : memref<4096x200x64xf32, #tpu.memory_space<hbm>> -> memref<1x200x64xf32, #tpu.memory_space<hbm>>
      %dma_start3A_265 = tpu.memref_squeeze %dma_start3A_264 : memref<1x200x64xf32, #tpu.memory_space<hbm>> -> memref<200x64xf32, #tpu.memory_space<hbm>>
      %dma_start3A_266 = arith.constant 0 : i32
      %dma_start3A_267 = arith.constant 0 : i32
      %dma_start3A_268 = tpu.memref_slice %arg4[%add3A_256, %dma_start3A_266, %dma_start3A_267] : memref<4096x200x64xf32, #tpu.memory_space<hbm>> -> memref<1x200x64xf32, #tpu.memory_space<hbm>>
      %dma_start3A_269 = tpu.memref_squeeze %dma_start3A_268 : memref<1x200x64xf32, #tpu.memory_space<hbm>> -> memref<200x64xf32, #tpu.memory_space<hbm>>
      %dma_start3A_270 = arith.constant 0 : i32
      %dma_start3A_271 = arith.constant 0 : i32
      %dma_start3A_272 = tpu.memref_slice %arg6[%dma_start3A_257, %dma_start3A_270, %dma_start3A_271] : memref<4x200x64xf32, #tpu.memory_space<vmem>> -> memref<1x200x64xf32, #tpu.memory_space<vmem>>
      %dma_start3A_273 = tpu.memref_squeeze %dma_start3A_272 : memref<1x200x64xf32, #tpu.memory_space<vmem>> -> memref<200x64xf32, #tpu.memory_space<vmem>>
      tpu.enqueue_dma source(%dma_start3A_273 : memref<200x64xf32, #tpu.memory_space<vmem>>) target(%dma_start3A_269 : memref<200x64xf32, #tpu.memory_space<hbm>>) target_semaphore(%arg14 : memref<!tpu.dma_semaphore, #tpu.memory_space<semaphore_mem>>)
      %add3A_274 = arith.constant 2 : i32
      %add3A_275 = arith.addi %add3A_242, %add3A_274 : i32
      %lt3A_276 = arith.constant 128 : i32
      %lt3A_277 = arith.cmpi slt, %add3A_275, %lt3A_276 : i32
      %convert_element_type3A_278 = arith.extui %lt3A_277 : i1 to i32
      %cond3A_279 = arith.constant 0 : i32
      %cond3A_280 = arith.cmpi ne, %convert_element_type3A_278, %cond3A_279 : i32
      scf.if %cond3A_280 {
        %ge3A = arith.constant 2 : i32
        %ge3A_281 = arith.cmpi sge, %add3A_242, %ge3A : i32
        %convert_element_type3A_282 = arith.extui %ge3A_281 : i1 to i32
        %cond3A_283 = arith.constant 0 : i32
        %cond3A_284 = arith.cmpi ne, %convert_element_type3A_282, %cond3A_283 : i32
        scf.if %cond3A_284 {
          %dma_wait3A_313 = arith.constant 1 : i32
          %dma_wait3A_314 = arith.constant 0 : i32
          %dma_wait3A_315 = arith.constant 0 : i32
          %dma_wait3A_316 = tpu.memref_slice %arg6[%dma_wait3A_313, %dma_wait3A_314, %dma_wait3A_315] : memref<4x200x64xf32, #tpu.memory_space<vmem>> -> memref<1x200x64xf32, #tpu.memory_space<vmem>>
          %dma_wait3A_317 = tpu.memref_squeeze %dma_wait3A_316 : memref<1x200x64xf32, #tpu.memory_space<vmem>> -> memref<200x64xf32, #tpu.memory_space<vmem>>
          %dma_wait3A_318 = arith.constant 0 : i32
          %dma_wait3A_319 = arith.constant 0 : i32
          %dma_wait3A_320 = tpu.memref_slice %arg4[%mul3A_4, %dma_wait3A_318, %dma_wait3A_319] : memref<4096x200x64xf32, #tpu.memory_space<hbm>> -> memref<1x200x64xf32, #tpu.memory_space<hbm>>
          %dma_wait3A_321 = tpu.memref_squeeze %dma_wait3A_320 : memref<1x200x64xf32, #tpu.memory_space<hbm>> -> memref<200x64xf32, #tpu.memory_space<hbm>>
          %dma_wait3A_322 = arith.constant 0 : i32
          %dma_wait3A_323 = arith.constant 0 : i32
          %dma_wait3A_324 = tpu.memref_slice %arg4[%mul3A_4, %dma_wait3A_322, %dma_wait3A_323] : memref<4096x200x64xf32, #tpu.memory_space<hbm>> -> memref<1x200x64xf32, #tpu.memory_space<hbm>>
          %dma_wait3A_325 = tpu.memref_squeeze %dma_wait3A_324 : memref<1x200x64xf32, #tpu.memory_space<hbm>> -> memref<200x64xf32, #tpu.memory_space<hbm>>
          %dma_wait3A_326 = arith.constant 0 : i32
          %dma_wait3A_327 = arith.constant 0 : i32
          %dma_wait3A_328 = tpu.memref_slice %arg6[%dma_wait3A_313, %dma_wait3A_326, %dma_wait3A_327] : memref<4x200x64xf32, #tpu.memory_space<vmem>> -> memref<1x200x64xf32, #tpu.memory_space<vmem>>
          %dma_wait3A_329 = tpu.memref_squeeze %dma_wait3A_328 : memref<1x200x64xf32, #tpu.memory_space<vmem>> -> memref<200x64xf32, #tpu.memory_space<vmem>>
          tpu.wait_dma2 semaphore(%arg12 : memref<!tpu.dma_semaphore, #tpu.memory_space<semaphore_mem>>) src(%dma_wait3A_329 : memref<200x64xf32, #tpu.memory_space<vmem>>) dst(%dma_wait3A_325 : memref<200x64xf32, #tpu.memory_space<hbm>>)
        } else {
        }
        %add3A_285 = arith.constant 2 : i32
        %add3A_286 = arith.addi %add3A_242, %add3A_285 : i32
        %mul3A_287 = arith.constant 200 : i32
        %mul3A_288 = arith.muli %add3A_286, %mul3A_287 : i32
        %add3A_289 = arith.constant 0 : i32
        %add3A_290 = arith.addi %mul3A_288, %add3A_289 : i32
        %dma_start3A_291 = arith.constant 1 : i32
        %dma_start3A_292 = arith.constant 0 : i32
        %dma_start3A_293 = arith.constant 0 : i32
        %dma_start3A_294 = tpu.memref_slice %arg6[%dma_start3A_291, %dma_start3A_292, %dma_start3A_293] : memref<4x200x64xf32, #tpu.memory_space<vmem>> -> memref<1x104x64xf32, #tpu.memory_space<vmem>>
        %dma_start3A_295 = tpu.memref_squeeze %dma_start3A_294 : memref<1x104x64xf32, #tpu.memory_space<vmem>> -> memref<104x64xf32, #tpu.memory_space<vmem>>
        %dma_start3A_296 = tpu.memref_slice %arg5[%add3A_290] : memref<25600xi32, #tpu.memory_space<vmem>> -> memref<104xi32, #tpu.memory_space<vmem>>
        %dma_start3A_297 = arith.constant 0 : i32
        %dma_start3A_298 = arith.constant 0 : i32
        %dma_start3A_299 = tpu.memref_slice %arg3[%dma_start3A_297, %dma_start3A_298] : memref<1000000x64xf32, #tpu.memory_space<hbm>> -> memref<1000000x64xf32, #tpu.memory_space<hbm>>
        tpu.enqueue_indirect_dma source(%dma_start3A_299 : memref<1000000x64xf32, #tpu.memory_space<hbm>>) target(%dma_start3A_295 : memref<104x64xf32, #tpu.memory_space<vmem>>) offsets(%dma_start3A_296 : memref<104xi32, #tpu.memory_space<vmem>>) semaphore(%arg8 : memref<!tpu.dma_semaphore, #tpu.memory_space<semaphore_mem>>)
        %mul3A_300 = arith.constant 200 : i32
        %mul3A_301 = arith.muli %add3A_286, %mul3A_300 : i32
        %add3A_302 = arith.constant 104 : i32
        %add3A_303 = arith.addi %mul3A_301, %add3A_302 : i32
        %dma_start3A_304 = arith.constant 1 : i32
        %dma_start3A_305 = arith.constant 104 : i32
        %dma_start3A_306 = arith.constant 0 : i32
        %dma_start3A_307 = tpu.memref_slice %arg6[%dma_start3A_304, %dma_start3A_305, %dma_start3A_306] : memref<4x200x64xf32, #tpu.memory_space<vmem>> -> memref<1x96x64xf32, #tpu.memory_space<vmem>>
        %dma_start3A_308 = tpu.memref_squeeze %dma_start3A_307 : memref<1x96x64xf32, #tpu.memory_space<vmem>> -> memref<96x64xf32, #tpu.memory_space<vmem>>
        %dma_start3A_309 = tpu.memref_slice %arg5[%add3A_303] : memref<25600xi32, #tpu.memory_space<vmem>> -> memref<96xi32, #tpu.memory_space<vmem>>
        %dma_start3A_310 = arith.constant 0 : i32
        %dma_start3A_311 = arith.constant 0 : i32
        %dma_start3A_312 = tpu.memref_slice %arg3[%dma_start3A_310, %dma_start3A_311] : memref<1000000x64xf32, #tpu.memory_space<hbm>> -> memref<1000000x64xf32, #tpu.memory_space<hbm>>
        tpu.enqueue_indirect_dma source(%dma_start3A_312 : memref<1000000x64xf32, #tpu.memory_space<hbm>>) target(%dma_start3A_308 : memref<96x64xf32, #tpu.memory_space<vmem>>) offsets(%dma_start3A_309 : memref<96xi32, #tpu.memory_space<vmem>>) semaphore(%arg8 : memref<!tpu.dma_semaphore, #tpu.memory_space<semaphore_mem>>)
      } else {
      }
    }
    %scan3A_48 = arith.constant 32 : i32
    %dma_wait3A = arith.constant 0 : i32
    %dma_wait3A_49 = arith.constant 0 : i32
    %dma_wait3A_50 = arith.constant 0 : i32
    %dma_wait3A_51 = tpu.memref_slice %arg6[%dma_wait3A, %dma_wait3A_49, %dma_wait3A_50] : memref<4x200x64xf32, #tpu.memory_space<vmem>> -> memref<1x200x64xf32, #tpu.memory_space<vmem>>
    %dma_wait3A_52 = tpu.memref_squeeze %dma_wait3A_51 : memref<1x200x64xf32, #tpu.memory_space<vmem>> -> memref<200x64xf32, #tpu.memory_space<vmem>>
    %dma_wait3A_53 = arith.constant 0 : i32
    %dma_wait3A_54 = arith.constant 0 : i32
    %dma_wait3A_55 = tpu.memref_slice %arg4[%mul3A_4, %dma_wait3A_53, %dma_wait3A_54] : memref<4096x200x64xf32, #tpu.memory_space<hbm>> -> memref<1x200x64xf32, #tpu.memory_space<hbm>>
    %dma_wait3A_56 = tpu.memref_squeeze %dma_wait3A_55 : memref<1x200x64xf32, #tpu.memory_space<hbm>> -> memref<200x64xf32, #tpu.memory_space<hbm>>
    %dma_wait3A_57 = arith.constant 0 : i32
    %dma_wait3A_58 = arith.constant 0 : i32
    %dma_wait3A_59 = tpu.memref_slice %arg4[%mul3A_4, %dma_wait3A_57, %dma_wait3A_58] : memref<4096x200x64xf32, #tpu.memory_space<hbm>> -> memref<1x200x64xf32, #tpu.memory_space<hbm>>
    %dma_wait3A_60 = tpu.memref_squeeze %dma_wait3A_59 : memref<1x200x64xf32, #tpu.memory_space<hbm>> -> memref<200x64xf32, #tpu.memory_space<hbm>>
    %dma_wait3A_61 = arith.constant 0 : i32
    %dma_wait3A_62 = arith.constant 0 : i32
    %dma_wait3A_63 = tpu.memref_slice %arg6[%dma_wait3A, %dma_wait3A_61, %dma_wait3A_62] : memref<4x200x64xf32, #tpu.memory_space<vmem>> -> memref<1x200x64xf32, #tpu.memory_space<vmem>>
    %dma_wait3A_64 = tpu.memref_squeeze %dma_wait3A_63 : memref<1x200x64xf32, #tpu.memory_space<vmem>> -> memref<200x64xf32, #tpu.memory_space<vmem>>
    tpu.wait_dma2 semaphore(%arg11 : memref<!tpu.dma_semaphore, #tpu.memory_space<semaphore_mem>>) src(%dma_wait3A_64 : memref<200x64xf32, #tpu.memory_space<vmem>>) dst(%dma_wait3A_60 : memref<200x64xf32, #tpu.memory_space<hbm>>)
    %dma_wait3A_65 = arith.constant 1 : i32
    %dma_wait3A_66 = arith.constant 0 : i32
    %dma_wait3A_67 = arith.constant 0 : i32
    %dma_wait3A_68 = tpu.memref_slice %arg6[%dma_wait3A_65, %dma_wait3A_66, %dma_wait3A_67] : memref<4x200x64xf32, #tpu.memory_space<vmem>> -> memref<1x200x64xf32, #tpu.memory_space<vmem>>
    %dma_wait3A_69 = tpu.memref_squeeze %dma_wait3A_68 : memref<1x200x64xf32, #tpu.memory_space<vmem>> -> memref<200x64xf32, #tpu.memory_space<vmem>>
    %dma_wait3A_70 = arith.constant 0 : i32
    %dma_wait3A_71 = arith.constant 0 : i32
    %dma_wait3A_72 = tpu.memref_slice %arg4[%mul3A_4, %dma_wait3A_70, %dma_wait3A_71] : memref<4096x200x64xf32, #tpu.memory_space<hbm>> -> memref<1x200x64xf32, #tpu.memory_space<hbm>>
    %dma_wait3A_73 = tpu.memref_squeeze %dma_wait3A_72 : memref<1x200x64xf32, #tpu.memory_space<hbm>> -> memref<200x64xf32, #tpu.memory_space<hbm>>
    %dma_wait3A_74 = arith.constant 0 : i32
    %dma_wait3A_75 = arith.constant 0 : i32
    %dma_wait3A_76 = tpu.memref_slice %arg4[%mul3A_4, %dma_wait3A_74, %dma_wait3A_75] : memref<4096x200x64xf32, #tpu.memory_space<hbm>> -> memref<1x200x64xf32, #tpu.memory_space<hbm>>
    %dma_wait3A_77 = tpu.memref_squeeze %dma_wait3A_76 : memref<1x200x64xf32, #tpu.memory_space<hbm>> -> memref<200x64xf32, #tpu.memory_space<hbm>>
    %dma_wait3A_78 = arith.constant 0 : i32
    %dma_wait3A_79 = arith.constant 0 : i32
    %dma_wait3A_80 = tpu.memref_slice %arg6[%dma_wait3A_65, %dma_wait3A_78, %dma_wait3A_79] : memref<4x200x64xf32, #tpu.memory_space<vmem>> -> memref<1x200x64xf32, #tpu.memory_space<vmem>>
    %dma_wait3A_81 = tpu.memref_squeeze %dma_wait3A_80 : memref<1x200x64xf32, #tpu.memory_space<vmem>> -> memref<200x64xf32, #tpu.memory_space<vmem>>
    tpu.wait_dma2 semaphore(%arg12 : memref<!tpu.dma_semaphore, #tpu.memory_space<semaphore_mem>>) src(%dma_wait3A_81 : memref<200x64xf32, #tpu.memory_space<vmem>>) dst(%dma_wait3A_77 : memref<200x64xf32, #tpu.memory_space<hbm>>)
    %dma_wait3A_82 = arith.constant 2 : i32
    %dma_wait3A_83 = arith.constant 0 : i32
    %dma_wait3A_84 = arith.constant 0 : i32
    %dma_wait3A_85 = tpu.memref_slice %arg6[%dma_wait3A_82, %dma_wait3A_83, %dma_wait3A_84] : memref<4x200x64xf32, #tpu.memory_space<vmem>> -> memref<1x200x64xf32, #tpu.memory_space<vmem>>
    %dma_wait3A_86 = tpu.memref_squeeze %dma_wait3A_85 : memref<1x200x64xf32, #tpu.memory_space<vmem>> -> memref<200x64xf32, #tpu.memory_space<vmem>>
    %dma_wait3A_87 = arith.constant 0 : i32
    %dma_wait3A_88 = arith.constant 0 : i32
    %dma_wait3A_89 = tpu.memref_slice %arg4[%mul3A_4, %dma_wait3A_87, %dma_wait3A_88] : memref<4096x200x64xf32, #tpu.memory_space<hbm>> -> memref<1x200x64xf32, #tpu.memory_space<hbm>>
    %dma_wait3A_90 = tpu.memref_squeeze %dma_wait3A_89 : memref<1x200x64xf32, #tpu.memory_space<hbm>> -> memref<200x64xf32, #tpu.memory_space<hbm>>
    %dma_wait3A_91 = arith.constant 0 : i32
    %dma_wait3A_92 = arith.constant 0 : i32
    %dma_wait3A_93 = tpu.memref_slice %arg4[%mul3A_4, %dma_wait3A_91, %dma_wait3A_92] : memref<4096x200x64xf32, #tpu.memory_space<hbm>> -> memref<1x200x64xf32, #tpu.memory_space<hbm>>
    %dma_wait3A_94 = tpu.memref_squeeze %dma_wait3A_93 : memref<1x200x64xf32, #tpu.memory_space<hbm>> -> memref<200x64xf32, #tpu.memory_space<hbm>>
    %dma_wait3A_95 = arith.constant 0 : i32
    %dma_wait3A_96 = arith.constant 0 : i32
    %dma_wait3A_97 = tpu.memref_slice %arg6[%dma_wait3A_82, %dma_wait3A_95, %dma_wait3A_96] : memref<4x200x64xf32, #tpu.memory_space<vmem>> -> memref<1x200x64xf32, #tpu.memory_space<vmem>>
    %dma_wait3A_98 = tpu.memref_squeeze %dma_wait3A_97 : memref<1x200x64xf32, #tpu.memory_space<vmem>> -> memref<200x64xf32, #tpu.memory_space<vmem>>
    tpu.wait_dma2 semaphore(%arg13 : memref<!tpu.dma_semaphore, #tpu.memory_space<semaphore_mem>>) src(%dma_wait3A_98 : memref<200x64xf32, #tpu.memory_space<vmem>>) dst(%dma_wait3A_94 : memref<200x64xf32, #tpu.memory_space<hbm>>)
    %dma_wait3A_99 = arith.constant 3 : i32
    %dma_wait3A_100 = arith.constant 0 : i32
    %dma_wait3A_101 = arith.constant 0 : i32
    %dma_wait3A_102 = tpu.memref_slice %arg6[%dma_wait3A_99, %dma_wait3A_100, %dma_wait3A_101] : memref<4x200x64xf32, #tpu.memory_space<vmem>> -> memref<1x200x64xf32, #tpu.memory_space<vmem>>
    %dma_wait3A_103 = tpu.memref_squeeze %dma_wait3A_102 : memref<1x200x64xf32, #tpu.memory_space<vmem>> -> memref<200x64xf32, #tpu.memory_space<vmem>>
    %dma_wait3A_104 = arith.constant 0 : i32
    %dma_wait3A_105 = arith.constant 0 : i32
    %dma_wait3A_106 = tpu.memref_slice %arg4[%mul3A_4, %dma_wait3A_104, %dma_wait3A_105] : memref<4096x200x64xf32, #tpu.memory_space<hbm>> -> memref<1x200x64xf32, #tpu.memory_space<hbm>>
    %dma_wait3A_107 = tpu.memref_squeeze %dma_wait3A_106 : memref<1x200x64xf32, #tpu.memory_space<hbm>> -> memref<200x64xf32, #tpu.memory_space<hbm>>
    %dma_wait3A_108 = arith.constant 0 : i32
    %dma_wait3A_109 = arith.constant 0 : i32
    %dma_wait3A_110 = tpu.memref_slice %arg4[%mul3A_4, %dma_wait3A_108, %dma_wait3A_109] : memref<4096x200x64xf32, #tpu.memory_space<hbm>> -> memref<1x200x64xf32, #tpu.memory_space<hbm>>
    %dma_wait3A_111 = tpu.memref_squeeze %dma_wait3A_110 : memref<1x200x64xf32, #tpu.memory_space<hbm>> -> memref<200x64xf32, #tpu.memory_space<hbm>>
    %dma_wait3A_112 = arith.constant 0 : i32
    %dma_wait3A_113 = arith.constant 0 : i32
    %dma_wait3A_114 = tpu.memref_slice %arg6[%dma_wait3A_99, %dma_wait3A_112, %dma_wait3A_113] : memref<4x200x64xf32, #tpu.memory_space<vmem>> -> memref<1x200x64xf32, #tpu.memory_space<vmem>>
    %dma_wait3A_115 = tpu.memref_squeeze %dma_wait3A_114 : memref<1x200x64xf32, #tpu.memory_space<vmem>> -> memref<200x64xf32, #tpu.memory_space<vmem>>
    tpu.wait_dma2 semaphore(%arg14 : memref<!tpu.dma_semaphore, #tpu.memory_space<semaphore_mem>>) src(%dma_wait3A_115 : memref<200x64xf32, #tpu.memory_space<vmem>>) dst(%dma_wait3A_111 : memref<200x64xf32, #tpu.memory_space<hbm>>)
    return
  }
}

</mosaic_0001>

<sc_bundles>
// kernel: kernel.3.cloned.1.call-start
scs
__scs_entry_jumppad:
0x0: {  	(pc) =	sbr.rel $0x88, $3  }
0x1: {  	(tag) =	ssettag $0x0;
	lr =	simm.s32 $0x1  }
0x2: {  	[smem:$0x3F9F] =	sst lr;
	_ =	strace $0xD0000000  }
0x3: {  	_ = 	snop  }
0x4: {  	_ = 	snop  }
0x5: {  	_ = 	snop  }
0x6: {  	_ = 	snop  }
0x7: {  	_ = 	snop  }
__scs_overlays_trampoline_lowered:
0x8: {  	[smem:$0x3FAE] =	sst s0  }
0x9: {  	[smem:$0x3FAF] =	sst s1  }
0xa: {  	[smem:$0x3FB0] =	sst s2  }
0xb: {  	[smem:$0x3FB1] =	sst s3  }
0xc: {  	[smem:$0x3FB2] =	sst s4  }
0xd: {  	[smem:$0x3FB3] =	sst s5  }
0xe: {  	[smem:$0x3FB4] =	sst s6  }
0xf: {  	[smem:$0x3FB5] =	sst s7  }
0x10: {  	[smem:$0x3FB6] =	sst s8  }
0x11: {  	[smem:$0x3FB7] =	sst s9;
	s0 =	simm.s32 @!p0 $0x0  }
0x12: {  	s1 =	sld [smem:$0x3F9D];
	s0 =	simm.s32 @p0 $0x1  }
0x13: {  	[smem:$0x3FB8] =	sst s0;
	s0 =	simm.s32 @!p1 $0x0  }
0x14: {  	s2 =	sld [smem:$0x3F9C];
	s0 =	simm.s32 @p1 $0x1  }
0x15: {  	[smem:$0x3FB9] =	sst s0;
	s0 =	simm.s32 @!p2 $0x0  }
0x16: {  	s3 =	sld [smem:$0x3FDB];
	s0 =	simm.s32 @p2 $0x1  }
0x17: {  	s4 =	simm.s32 $0x1BF5;
	[smem:$0x3FBB] =	sst s0  }
0x18: {  	s0 =	sld [smem:$0x3F9E];
	_ =	swait.ge [sflag:s4], $0x0  }
0x19: {  	s7 =	sld [smem:$0x3F9F]  }
0x1a: {  	s8 =	sadd.s32 $0xFFFFE003, lr  }
0x1b: {  	s9 =	sadd.s32 $0xFFFFFEF7, lr;
	s5 =	simm.s32 $0xFFFFFFFF;
	p2 =	slt.u32 s8, $0xFFFFF086  }
0x1c: {  	p1 =	slt.u32 s9, $0xF7A;
	s5 =	simm.s32 @!p2 $0x0  }
0x1d: {  	s5 =	simm.s32 @p1 $0x1;
	p0 =	seq.s32 s7, s2  }
0x1e: {  	s7 =	smul.u32 @!p0 $0xF7A, s2;
	p2 =	seq.s32 @!p0 s5, $0x0  }
0x1f: {  	s9 =	smul.u32 $0xF7A, s1;
	s8 =	simm.s32 @!p0 $0x1BF5;
	p2 =	por !p2, p0  }
0x20: {  	[sflag:s8] =	ssyncset.s32 @!p0 $0xFFFFF086;
	s6 =	sadd.s32 @!p0 s3, s7;
	s7 =	simm.s32 @!p0 $0x108  }
0x21: {  	s3 =	sadd.s32 s3, s9;
	s6 =	sadd.s32 @!p0 $0x88, s6;
	s7 =	simm.s32 @p2 $0x1082  }
0x22: {  	[simem:s7], [sflag:s8] =	dma.local @!p0 [hbm:s6], $0xF7A  }
0x23: {  	s9 =	sor.u32 $0xD0000000, s2;
	s6 =	simm.s32 $0x108;
	_ =	swait.ge @!p0 [sflag:s8], $0x0  }
0x24: {  	s3 =	sadd.s32 $0x88, s3;
	s6 =	simm.s32 @!p1 $0x1082;
	[sflag:s4] =	ssyncset.s32 $0xFFFFF086  }
0x25: {  	[simem:s6], [sflag:s4] =	dma.local [hbm:s3], $0xF7A  }
0x26: {  	[smem:$0x3F9F] =	sst s1;
	(tag) =	ssettag s2;
	_ =	strace s9  }
0x27: {  	s1 =	sld [smem:$0x3FAF]  }
0x28: {  	s2 =	sld [smem:$0x3FB0]  }
0x29: {  	s4 =	sld [smem:$0x3FB2]  }
0x2a: {  	p0 =	seq.s32 s5, $0x0;
	s5 =	sld [smem:$0x3FB3]  }
0x2b: {  	s6 =	sld [smem:$0x3FB4]  }
0x2c: {  	s7 =	sld [smem:$0x3FB5]  }
0x2d: {  	s3 =	simm.s32 $0x108;
	s8 =	sld [smem:$0x3FB6]  }
0x2e: {  	s3 =	simm.s32 @!p0 $0x1082;
	s9 =	sld [smem:$0x3FB7]  }
0x2f: {  	lr =	sadd.s32 s0, s3;
	s0 =	sld [smem:$0x3FAE]  }
0x30: {  	s3 =	sld [smem:$0x3FB1]  }
0x31: {  	[smem:$0x3FBA] =	sst s10  }
0x32: {  	s10 =	sld [smem:$0x3FB8];
	_ =	sdelay $0x3  }
0x33: {  	p0 =	seq.s32 s10, $0x1;
	s10 =	sld [smem:$0x3FBA];
	_ =	sdelay $0x3  }
0x34: {  	[smem:$0x3FBA] =	sst s10  }
0x35: {  	s10 =	sld [smem:$0x3FB9];
	_ =	sdelay $0x3  }
0x36: {  	p1 =	seq.s32 s10, $0x1;
	s10 =	sld [smem:$0x3FBA];
	_ =	sdelay $0x3  }
0x37: {  	[smem:$0x3FBA] =	sst s10  }
0x38: {  	s10 =	sld [smem:$0x3FBB]  }
0x39: {  	_ = 	snop;
	(pc) =	sbr.ind lr, $3  }
0x3a: {  	_ = 	snop  }
0x3b: {  	_ = 	snop  }
0x3c: {  	p2 =	seq.s32 s10, $0x1;
	s10 =	sld [smem:$0x3FBA]  }
0x3d: {  	_ =	shalt  }
0x3e: {  	_ =	shalt  }
0x3f: {  	_ =	shalt  }
0x40: {  	_ =	shalt  }
0x41: {  	_ =	shalt  }
0x42: {  	_ =	shalt  }
0x43: {  	_ =	shalt  }
0x44: {  	_ =	shalt  }
0x45: {  	_ =	shalt  }
0x46: {  	_ =	shalt  }
0x47: {  	_ =	shalt  }
0x48: {  	_ =	shalt  }
0x49: {  	_ =	shalt  }
0x4a: {  	_ =	shalt  }
0x4b: {  	_ =	shalt  }
0x4c: {  	_ =	shalt  }
0x4d: {  	_ =	shalt  }
0x4e: {  	_ =	shalt  }
0x4f: {  	_ =	shalt  }
0x50: {  	_ =	shalt  }
0x51: {  	_ =	shalt  }
0x52: {  	_ =	shalt  }
0x53: {  	_ =	shalt  }
0x54: {  	_ =	shalt  }
0x55: {  	_ =	shalt  }
0x56: {  	_ =	shalt  }
0x57: {  	_ =	shalt  }
0x58: {  	_ =	shalt  }
0x59: {  	_ =	shalt  }
0x5a: {  	_ =	shalt  }
0x5b: {  	_ =	shalt  }
0x5c: {  	_ =	shalt  }
0x5d: {  	_ =	shalt  }
0x5e: {  	_ =	shalt  }
0x5f: {  	_ =	shalt  }
0x60: {  	_ =	shalt  }
0x61: {  	_ =	shalt  }
0x62: {  	_ =	shalt  }
0x63: {  	_ =	shalt  }
0x64: {  	_ =	shalt  }
0x65: {  	_ =	shalt  }
0x66: {  	_ =	shalt  }
0x67: {  	_ =	shalt  }
0x68: {  	_ =	shalt  }
0x69: {  	_ =	shalt  }
0x6a: {  	_ =	shalt  }
0x6b: {  	_ =	shalt  }
0x6c: {  	_ =	shalt  }
0x6d: {  	_ =	shalt  }
0x6e: {  	_ =	shalt  }
0x6f: {  	_ =	shalt  }
0x70: {  	_ =	shalt  }
0x71: {  	_ =	shalt  }
0x72: {  	_ =	shalt  }
0x73: {  	_ =	shalt  }
0x74: {  	_ =	shalt  }
0x75: {  	_ =	shalt  }
0x76: {  	_ =	shalt  }
0x77: {  	_ =	shalt  }
0x78: {  	_ =	shalt  }
0x79: {  	_ =	shalt  }
0x7a: {  	_ =	shalt  }
0x7b: {  	_ =	shalt  }
0x7c: {  	_ =	shalt  }
0x7d: {  	_ =	shalt  }
0x7e: {  	_ =	shalt  }
0x7f: {  	_ =	shalt  }
0x80: {  	_ =	shalt  }
0x81: {  	_ =	shalt  }
0x82: {  	_ =	shalt  }
0x83: {  	_ =	shalt  }
0x84: {  	_ =	shalt  }
0x85: {  	_ =	shalt  }
0x86: {  	_ =	shalt  }
0x87: {  	_ =	shalt  }
.Lfunc_end0:
.L_simem_size_0:
called_computation.1_lowered:
.L_overlay_start_0:
0x88: {  	s2 =	sld [smem:$0x3FD9]  }
0x89: {  	s3 =	sld [smem:$0x3FFE];
	_ =	sdelay $0x1  }
0x8a: {  	s1 =	srdreg.scid  }
0x8b: {  	s0 =	sand.u32 $0x1, s1  }
0x8c: {  	s17 =	sshll.u32 s0, $0xA;
	s2 =	sadd.s32 s3, s2  }
0x8d: {  	s2 =	sadd.s32 s2, s17  }
0x8e: {  	[smem:$0x3FC6] =	sst s2  }
0x8f: {  	_ = 	snop  }
0x90: {  	s2 =	sld [smem:$0x3FD0];
	(tm) =	ssettm $0x1  }
0x91: {  	s18 =	sld [smem:$0x3FFB];
	_ =	sdelay $0x3  }
0x92: {  	_ =	strace s18  }
0x93: {  	s3 =	sld [smem:$0x3FFC];
	_ =	sdelay $0x3  }
0x94: {  	_ =	strace s3  }
0x95: {  	s3 =	sld [smem:$0x3FFD];
	_ =	sdelay $0x3  }
0x96: {  	_ =	strace s3  }
0x97: {  	_ =	strace $0x8FFFFFFF  }
0x98: {  	s19 =	sld [smem:$0x3FDB];
	_ =	sdelay $0x1  }
0x99: {  	s4 =	simm.s32 $_scs_section_size  }
0x9a: {  	s5 =	simm.s32 $_size__tile_overlayer_lowered;
	s6 =	simm.s32 $_tile_overlayer_lowered  }
0x9b: {  	s22 =	simm.s32 $0x1BFF;
	s21 =	sshll.u32 s6, $0x1;
	s3 =	sadd.s32 s4, s19  }
0x9c: {  	s7 =	simm.s32 $0x0;
	s20 =	sshll.u32 s5, $0x1;
	s5 =	sadd.s32 s21, s3  }
0x9d: {  	[timem:s7], [sflag:s22] =	dma.local [hbm:s5], s20  }
0x9e: {  	_ =	swait.ge [sflag:s22], s20  }
0x9f: {  	s4 =	ssub.s32 $0x0, s20;
	[sflag:s22] =	ssyncset.done $0x0  }
0xa0: {  	[sflag:s22] =	ssyncadd.s32 s4;
	_ =	sdelay $0x1  }
0xa1: {  	s23 =	simm.s32 $0x1B8B  }
0xa2: {  	_ =	swait.ge [sflag:s23], $0x1  }
0xa3: {  	[sflag:s23] =	ssyncset.done $0x0  }
0xa4: {  	s25 =	simm.s32 $0x1B8E;
	s24 =	sld [smem:$0x3FFE];
	[sflag:s23] =	ssyncadd.s32 $0xFFFFFFFF  }
0xa5: {  	s26 =	simm.s32 $execute0_lowered;
	[smem:$0x3FD2] =	sst s25  }
0xa6: {  	s5 =	sshll.u32 s26, $0x1;
	_ =	strace $0x80000046;
	[dreg:$0x1] =	wrdreg $0xFFFFFFFF  }
0xa7: {  	s28 =	simm.s32 $_size_execute0_lowered;
	s3 =	sadd.s32 s3, s5;
	[dreg:$0x0] =	wrdreg $0x0  }
0xa8: {  	s5 =	sshll.u32 s28, $0x1;
	[dreg:$0x2] =	wrdreg s3  }
0xa9: {  	[dreg:$0x3] =	wrdreg s5  }
0xaa: {  	[dreg:$0x4] =	wrdreg $0xC0  }
0xab: {  	_ =	task [dreg:s7], $0x5FFFF  }
0xac: {  	[dreg:$0x1] =	wrdreg $0xFFFFFFFF  }
0xad: {  	[dreg:$0x0] =	wrdreg $0x60  }
0xae: {  	[dreg:$0x2] =	wrdreg s24  }
0xaf: {  	[dreg:$0x3] =	wrdreg s2  }
0xb0: {  	[dreg:$0x4] =	wrdreg $0x9  }
0xb1: {  	_ =	task.clear_ibuf [dreg:s7], $0x5FFFF;
	_ =	strace $0x90000046  }
0xb2: {  	s29 =	simm.s32 $0x9;
	_ =	strace $0x80000048  }
0xb3: {  	_ =	swait.ge [sflag:s29], $0x1  }
0xb4: {  	[sflag:s29] =	ssyncadd.s32 $0xFFFFFFFF  }
0xb5: {  	_ =	strace $0x90000048  }
0xb6: {  	_ =	sfence  }
0xb7: {  	s30 =	sld [smem:$0x0];
	_ =	sdelay $0x2  }
0xb8: {  	s31 =	sshll.u32 s1, $0xD;
	s1 =	sshrl.u32 s1, $0x2  }
0xb9: {  	s3 =	sand.u32 $0x4000, s31;
	s1 =	sadd.s32 s1, s30  }
0xba: {  	s0 =	sor.u32 s3, s0;
	s1 =	sshll.u32 s1, $0x11  }
0xbb: {  	s0 =	sor.u32 s1, s0  }
0xbc: {  	s0 =	sadd.s32 $0x8F2B, s0  }
0xbd: {  	[sflag:s0] =	ssyncadd.remote.s32 $0x1  }
0xbe: {  	_ =	sfence.sel $0xFFFF  }
0xbf: {  	[dreg:$0x0] =	wrdreg $0xFFFFFFFF;
	(pc) =	sbr.abs _section_cstart, $3  }
0xc0: {  	[dreg:$0x1] =	wrdreg $0xFFFFFFFF  }
0xc1: {  	_ =	task.clear_ibuf [dreg:s7], $0x2FFFF;
	_ =	strace $0x9FFFFFFF  }
0xc2: {  	(tm) =	ssettm $0x7FFFFFFF  }
0xc3: {  	_ =	shalt  }
tec
execute0_lowered:
.L_overlay_start_1:
0x0: {  	(tag) =	ssettag $0x1  }
0x1: {  	s0 =	srdreg.scid  }
0x2: {  	s2 =	stileid.u32;
	s1 =	rddreg [dreg:$0x0]  }
0x3: {  	s8 =	simm.s32 $0x9;
	s9 =	simm.s32 $0x68;
	s10 =	simm.s32 $0x6400  }
0x4: {  	s11 =	simm.s32 $0x60;
	s14 =	simm.s32 $0x9600;
	s16 =	simm.s32 $0xB000  }
0x5: {  	s17 =	simm.s32 $0x1;
	s18 =	simm.s32 $0xC800;
	s19 =	simm.s32 $0xE200  }
0x6: {  	s20 =	simm.s32 $0x2;
	s21 =	simm.s32 $0xFA00;
	s22 =	simm.s32 $0x11400  }
0x7: {  	s23 =	simm.s32 $0x3;
	s24 =	simm.s32 $0x4;
	s25 =	simm.s32 $0x5  }
0x8: {  	s26 =	simm.s32 $0x6;
	s28 =	simm.s32 $0x7;
	s29 =	simm.s32 $0x8  }
0x9: {  	s30 =	simm.s32 $0x0;
	s0 =	sand.u32 $0x1, s0;
	s3 =	sshll.u32 s2, $0x1  }
.Ltmp0:
0xa: {  	s2 =	rddreg [dreg:$0x1];
	s5 =	sor.u32 s0, s3;
	(pc) =	sbr.rel .LBB2_1-.Ltmp0, $4  }
0xb: {  	s3 =	simm.s32 $0x0;
	s0 =	ssub.s32 $0x2, s0;
	s4 =	smul.u32 $0xC80, s5  }
0xc: {  	[smem:$0x7FF] =	sst s3;
	s7 =	sshrl.u32 s0, $0x1;
	s5 =	sshll.u32 s5, $0x7  }
0xd: {  	_ =	strace $0x80000047;
	s0 =	ssub.s32 s0, s7;
	s6 =	sadd.s32 s4, s1  }
0xe: {  	s4 =	sadd.s32 $0xF42E00, s1;
	s7 =	smax.u32 s0, $0x1;
	s6 =	sadd.s32 $0xA00, s6  }
.LBB2_12:
0xf: {  	_ =	swait.ge [sflag:s25], $0x3200  }
0x10: {  	[sflag:s25] =	ssyncset.done $0x0  }
0x11: {  	[sflag:s25] =	ssyncadd.s32 $0xFFFFCE00  }
0x12: {  	_ =	swait.ge [sflag:s26], $0x3200  }
0x13: {  	[sflag:s26] =	ssyncset.done $0x0  }
0x14: {  	s30 =	sadd.s32 $0x1, s30;
	[sflag:s26] =	ssyncadd.s32 $0xFFFFCE00  }
0x15: {  	p0 =	sne.s32 s30, s7;
	_ =	swait.ge [sflag:s28], $0x3200  }
.Ltmp1:
0x16: {  	[sflag:s28] =	ssyncset.done $0x0;
	(pc) =	sbr.rel @!p0 .LBB2_13-.Ltmp1, $4  }
0x17: {  	[sflag:s28] =	ssyncadd.s32 $0xFFFFCE00  }
0x18: {  	_ =	swait.ge [sflag:s29], $0x3200  }
0x19: {  	[sflag:s29] =	ssyncset.done $0x0  }
0x1a: {  	[sflag:s29] =	ssyncadd.s32 $0xFFFFCE00  }
.LBB2_1:
0x1b: {  	[tilespmem:s3], [sflag:$0x9] =	stream.linear.gather [hbm4b:s6+s3], $0x6400, $0x38;
	[tilespmem:$0x12C00] =	vst v63  }
0x1c: {  	_ =	swait.ge [sflag:s8], $0x6400  }
0x1d: {  	[sflag:s8] =	ssyncset.done $0x0  }
0x1e: {  	[sflag:s8] =	ssyncadd.s32 $0xFFFF9C00  }
0x1f: {  	[tilespmem:s10], [sflag:$0x1] =	stream.indirect.gather [hbm4b:s4+s9], $0x40, s3, s9, $0xb8;
	[tilespmem:$0x12C00] =	vst v63  }
0x20: {  	s0 =	simm.s32 $0x7E00  }
0x21: {  	[tilespmem:s0], [sflag:$0x1] =	stream.indirect.gather [hbm4b:s4+s11], $0x40, s9, s11, $0xb8;
	[tilespmem:$0x12C00] =	vst v63  }
0x22: {  	s13 =	simm.s32 $0xC8  }
0x23: {  	[tilespmem:s14], [sflag:$0x2] =	stream.indirect.gather [hbm4b:s4+s9], $0x40, s13, s9, $0xb8;
	[tilespmem:$0x12C00] =	vst v63  }
0x24: {  	s15 =	simm.s32 $0x130;
	s31 =	simm.s32 $0x0  }
0x25: {  	[tilespmem:s16], [sflag:$0x2] =	stream.indirect.gather [hbm4b:s4+s11], $0x40, s15, s11, $0xb8;
	[tilespmem:$0x12C00] =	vst v63  }
.LBB2_2:
0x26: {  	_ =	swait.ge [sflag:s17], $0x3200  }
0x27: {  	[sflag:s17] =	ssyncset.done $0x0  }
0x28: {  	s0 =	simm.s32 $0x6500;
	[sflag:s17] =	ssyncadd.s32 $0xFFFFCE00  }
0x29: {  	v0 =	vld [tilespmem:s0+$0xF0]  }
0x2a: {  	v1 =	vld [tilespmem:s0+$0xFFFFFF10]  }
0x2b: {  	v2 =	vld [tilespmem:s0+$0xFFFFFF20]  }
0x2c: {  	v3 =	vld [tilespmem:s0+$0xFFFFFF30]  }
0x2d: {  	v4 =	vld [tilespmem:s0+$0xFFFFFF40]  }
0x2e: {  	v5 =	vld [tilespmem:s0+$0xFFFFFF50];
	v0 =	vmul.f32 $8.000000000e+00, v0  }
0x2f: {  	v6 =	vld [tilespmem:s0+$0xFFFFFF60];
	v1 =	vmul.f32 $8.000000000e+00, v1  }
0x30: {  	v7 =	vld [tilespmem:s0+$0xFFFFFF70];
	v2 =	vmul.f32 $8.000000000e+00, v2;
	[tilespmem:s0+$0xF0] =	vst v0  }
0x31: {  	[tilespmem:s0+$0xFFFFFF10] =	vst v1;
	v0 =	vmul.f32 $8.000000000e+00, v3;
	v1 =	vld [tilespmem:s0+$0xFFFFFF80]  }
0x32: {  	[tilespmem:s0+$0xFFFFFF20] =	vst v2;
	v2 =	vmul.f32 $8.000000000e+00, v4;
	v3 =	vld [tilespmem:s0+$0xFFFFFF90]  }
0x33: {  	v4 =	vld [tilespmem:s0+$0xFFFFFFA0];
	[tilespmem:s0+$0xFFFFFF30] =	vst v0;
	v0 =	vmul.f32 $8.000000000e+00, v5  }
0x34: {  	[tilespmem:s0+$0xFFFFFF40] =	vst v2;
	v2 =	vmul.f32 $8.000000000e+00, v6;
	v5 =	vld [tilespmem:s0+$0xFFFFFFB0]  }
0x35: {  	v6 =	vld [tilespmem:s0+$0xFFFFFFC0];
	[tilespmem:s0+$0xFFFFFF50] =	vst v0;
	v0 =	vmul.f32 $8.000000000e+00, v7  }
0x36: {  	[tilespmem:s0+$0xFFFFFF60] =	vst v2;
	v2 =	vld [tilespmem:s0+$0xFFFFFFD0];
	v1 =	vmul.f32 $8.000000000e+00, v1  }
0x37: {  	[tilespmem:s0+$0xFFFFFF70] =	vst v0;
	v0 =	vmul.f32 $8.000000000e+00, v3;
	v3 =	vld [tilespmem:s0+$0xFFFFFFE0]  }
0x38: {  	[tilespmem:s0+$0xFFFFFF80] =	vst v1;
	v1 =	vmul.f32 $8.000000000e+00, v4;
	v4 =	vld [tilespmem:s0+$0xFFFFFFF0]  }
0x39: {  	[tilespmem:s0+$0xFFFFFF90] =	vst v0;
	v0 =	vmul.f32 $8.000000000e+00, v5;
	v5 =	vld [tilespmem:s0+$0x0]  }
0x3a: {  	[tilespmem:s0+$0xFFFFFFA0] =	vst v1;
	v1 =	vmul.f32 $8.000000000e+00, v6;
	v6 =	vld [tilespmem:s0+$0x10]  }
0x3b: {  	[tilespmem:s0+$0xFFFFFFB0] =	vst v0;
	v0 =	vmul.f32 $8.000000000e+00, v2;
	v2 =	vld [tilespmem:s0+$0x20]  }
0x3c: {  	[tilespmem:s0+$0xFFFFFFC0] =	vst v1;
	v1 =	vmul.f32 $8.000000000e+00, v3;
	v3 =	vld [tilespmem:s0+$0x30]  }
0x3d: {  	[tilespmem:s0+$0xFFFFFFD0] =	vst v0;
	v0 =	vmul.f32 $8.000000000e+00, v4;
	v4 =	vld [tilespmem:s0+$0x40]  }
0x3e: {  	[tilespmem:s0+$0xFFFFFFE0] =	vst v1;
	v1 =	vmul.f32 $8.000000000e+00, v5;
	v5 =	vld [tilespmem:s0+$0x50]  }
0x3f: {  	[tilespmem:s0+$0xFFFFFFF0] =	vst v0;
	v0 =	vmul.f32 $8.000000000e+00, v6;
	v6 =	vld [tilespmem:s0+$0x60]  }
0x40: {  	[tilespmem:s0+$0x0] =	vst v1;
	v1 =	vmul.f32 $8.000000000e+00, v2;
	v2 =	vld [tilespmem:s0+$0x70]  }
0x41: {  	[tilespmem:s0+$0x10] =	vst v0;
	v0 =	vmul.f32 $8.000000000e+00, v3;
	v3 =	vld [tilespmem:s0+$0x80]  }
0x42: {  	v7 =	vld [tilespmem:s0+$0x90];
	[tilespmem:s0+$0x20] =	vst v1;
	v1 =	vmul.f32 $8.000000000e+00, v4  }
0x43: {  	v8 =	vld [tilespmem:s0+$0xA0];
	[tilespmem:s0+$0x30] =	vst v0;
	v4 =	vmul.f32 $8.000000000e+00, v5  }
0x44: {  	v0 =	vld [tilespmem:s0+$0xB0];
	[tilespmem:s0+$0x40] =	vst v1;
	v5 =	vmul.f32 $8.000000000e+00, v6  }
0x45: {  	v1 =	vld [tilespmem:s0+$0xC0];
	[tilespmem:s0+$0x50] =	vst v4;
	v2 =	vmul.f32 $8.000000000e+00, v2  }
0x46: {  	v4 =	vld [tilespmem:s0+$0xD0];
	[tilespmem:s0+$0x60] =	vst v5;
	v6 =	vmul.f32 $8.000000000e+00, v3  }
0x47: {  	v5 =	vmul.f32 $8.000000000e+00, v7;
	[tilespmem:s0+$0x70] =	vst v2;
	v2 =	vld [tilespmem:s0+$0xE0]  }
0x48: {  	s1 =	simm.s32 $0x0;
	s12 =	simm.s32 $0x6700;
	v3 =	vld [tilespmem:s0+$0xFFFFFF00];
	[tilespmem:s0+$0x80] =	vst v6;
	v6 =	vmul.f32 $8.000000000e+00, v8  }
.LBB2_3:
0x49: {  	v7 =	vld [tilespmem:s12+$0xF0];
	s1 =	sadd.s32 $0x8, s1;
	[tilespmem:s0+$0x90] =	vst v5;
	v0 =	vmul.f32 $8.000000000e+00, v0  }
0x4a: {  	v5 =	vld [tilespmem:s12+$0xFFFFFF10];
	p0 =	slt.u32 s1, $0xC0;
	[tilespmem:s0+$0xA0] =	vst v6;
	v1 =	vmul.f32 $8.000000000e+00, v1  }
0x4b: {  	v6 =	vld [tilespmem:s12+$0xFFFFFF20];
	[tilespmem:s0+$0xB0] =	vst v0;
	v0 =	vmul.f32 $8.000000000e+00, v4  }
0x4c: {  	v4 =	vld [tilespmem:s12+$0xFFFFFF30];
	[tilespmem:s0+$0xC0] =	vst v1;
	v1 =	vmul.f32 $8.000000000e+00, v2  }
0x4d: {  	v2 =	vld [tilespmem:s12+$0xFFFFFF40];
	v3 =	vmul.f32 $8.000000000e+00, v3;
	[tilespmem:s0+$0xD0] =	vst v0  }
0x4e: {  	v0 =	vld [tilespmem:s12+$0xFFFFFF50];
	v7 =	vmul.f32 $8.000000000e+00, v7;
	[tilespmem:s0+$0xE0] =	vst v1  }
0x4f: {  	v1 =	vmul.f32 $8.000000000e+00, v5;
	v5 =	vld [tilespmem:s12+$0xFFFFFF60];
	[tilespmem:s0+$0xFFFFFF00] =	vst v3;
	s0 =	smov.u32 s12  }
0x50: {  	v3 =	vmul.f32 $8.000000000e+00, v6;
	v6 =	vld [tilespmem:s12+$0xFFFFFF70];
	[tilespmem:s12+$0xF0] =	vst v7  }
0x51: {  	[tilespmem:s12+$0xFFFFFF10] =	vst v1;
	v1 =	vmul.f32 $8.000000000e+00, v4;
	v4 =	vld [tilespmem:s12+$0xFFFFFF80]  }
0x52: {  	[tilespmem:s12+$0xFFFFFF20] =	vst v3;
	v2 =	vmul.f32 $8.000000000e+00, v2;
	v3 =	vld [tilespmem:s12+$0xFFFFFF90]  }
0x53: {  	[tilespmem:s12+$0xFFFFFF30] =	vst v1;
	v0 =	vmul.f32 $8.000000000e+00, v0;
	v1 =	vld [tilespmem:s12+$0xFFFFFFA0]  }
0x54: {  	[tilespmem:s12+$0xFFFFFF40] =	vst v2;
	v2 =	vmul.f32 $8.000000000e+00, v5;
	v5 =	vld [tilespmem:s12+$0xFFFFFFB0]  }
0x55: {  	[tilespmem:s12+$0xFFFFFF50] =	vst v0;
	v0 =	vmul.f32 $8.000000000e+00, v6;
	v6 =	vld [tilespmem:s12+$0xFFFFFFC0]  }
0x56: {  	[tilespmem:s12+$0xFFFFFF60] =	vst v2;
	v2 =	vmul.f32 $8.000000000e+00, v4;
	v4 =	vld [tilespmem:s12+$0xFFFFFFD0]  }
0x57: {  	[tilespmem:s12+$0xFFFFFF70] =	vst v0;
	v0 =	vmul.f32 $8.000000000e+00, v3;
	v3 =	vld [tilespmem:s12+$0xFFFFFFE0]  }
0x58: {  	[tilespmem:s12+$0xFFFFFF80] =	vst v2;
	v1 =	vmul.f32 $8.000000000e+00, v1;
	v2 =	vld [tilespmem:s12+$0xFFFFFFF0]  }
0x59: {  	[tilespmem:s12+$0xFFFFFF90] =	vst v0;
	v0 =	vmul.f32 $8.000000000e+00, v5;
	v5 =	vld [tilespmem:s12+$0x0]  }
0x5a: {  	[tilespmem:s12+$0xFFFFFFA0] =	vst v1;
	v1 =	vmul.f32 $8.000000000e+00, v6;
	v6 =	vld [tilespmem:s12+$0x10]  }
0x5b: {  	[tilespmem:s12+$0xFFFFFFB0] =	vst v0;
	v0 =	vmul.f32 $8.000000000e+00, v4;
	v4 =	vld [tilespmem:s12+$0x20]  }
0x5c: {  	[tilespmem:s12+$0xFFFFFFC0] =	vst v1;
	v1 =	vmul.f32 $8.000000000e+00, v3;
	v3 =	vld [tilespmem:s12+$0x30]  }
0x5d: {  	[tilespmem:s12+$0xFFFFFFD0] =	vst v0;
	v0 =	vmul.f32 $8.000000000e+00, v2;
	v2 =	vld [tilespmem:s12+$0x40]  }
0x5e: {  	[tilespmem:s12+$0xFFFFFFE0] =	vst v1;
	v1 =	vmul.f32 $8.000000000e+00, v5;
	v5 =	vld [tilespmem:s12+$0x50]  }
0x5f: {  	[tilespmem:s12+$0xFFFFFFF0] =	vst v0;
	v0 =	vmul.f32 $8.000000000e+00, v6;
	v6 =	vld [tilespmem:s12+$0x60]  }
0x60: {  	[tilespmem:s12+$0x0] =	vst v1;
	v1 =	vmul.f32 $8.000000000e+00, v4;
	v4 =	vld [tilespmem:s12+$0x70]  }
0x61: {  	[tilespmem:s12+$0x10] =	vst v0;
	v0 =	vmul.f32 $8.000000000e+00, v3;
	v3 =	vld [tilespmem:s12+$0x80]  }
0x62: {  	[tilespmem:s12+$0x20] =	vst v1;
	v1 =	vmul.f32 $8.000000000e+00, v2;
	v2 =	vld [tilespmem:s12+$0x90]  }
0x63: {  	[tilespmem:s12+$0x30] =	vst v0;
	v5 =	vmul.f32 $8.000000000e+00, v5;
	v7 =	vld [tilespmem:s12+$0xA0]  }
.Ltmp2:
0x64: {  	[tilespmem:s12+$0x40] =	vst v1;
	v6 =	vmul.f32 $8.000000000e+00, v6;
	v0 =	vld [tilespmem:s12+$0xB0];
	(pc) =	sbr.rel @p0 .LBB2_3-.Ltmp2, $4  }
0x65: {  	[tilespmem:s12+$0x50] =	vst v5;
	v5 =	vmul.f32 $8.000000000e+00, v4;
	v1 =	vld [tilespmem:s12+$0xC0]  }
0x66: {  	[tilespmem:s12+$0x60] =	vst v6;
	v6 =	vmul.f32 $8.000000000e+00, v3;
	v4 =	vld [tilespmem:s12+$0xD0]  }
0x67: {  	[tilespmem:s12+$0x70] =	vst v5;
	v5 =	vmul.f32 $8.000000000e+00, v2;
	v2 =	vld [tilespmem:s12+$0xE0]  }
0x68: {  	s12 =	sadd.s32 $0x200, s12;
	v3 =	vld [tilespmem:s0+$0xFFFFFF00];
	[tilespmem:s0+$0x80] =	vst v6;
	v6 =	vmul.f32 $8.000000000e+00, v7  }
0x69: {  	[tilespmem:s0+$0x90] =	vst v5;
	v0 =	vmul.f32 $8.000000000e+00, v0  }
0x6a: {  	[tilespmem:s0+$0xA0] =	vst v6;
	v1 =	vmul.f32 $8.000000000e+00, v1  }
0x6b: {  	s1 =	sshll.u32 s31, $0x2;
	[tilespmem:s0+$0xB0] =	vst v0;
	v0 =	vmul.f32 $8.000000000e+00, v4  }
0x6c: {  	s12 =	sadd.s32 s5, s1;
	[tilespmem:s0+$0xC0] =	vst v1;
	v1 =	vmul.f32 $8.000000000e+00, v2  }
0x6d: {  	s12 =	smul.u32 $0x640, s12;
	v2 =	vmul.f32 $8.000000000e+00, v3;
	[tilespmem:s0+$0xD0] =	vst v0  }
0x6e: {  	p0 =	seq.s32 s31, $0x0;
	[tilespmem:s0+$0xE0] =	vst v1  }
0x6f: {  	s13 =	sadd.s32 s2, s12;
	s12 =	simm.s32 @!p0 $0x7;
	[tilespmem:s0+$0xFFFFFF00] =	vst v2;
	s0 =	sor.u32 $0x2, s1  }
0x70: {  	[hbm4b:s13+s3] =	stream.linear.scatter [tilespmem:s10], [sflag:$0x5], $0x3200, $0x38;
	[tilespmem:$0x12C00] =	vst v63  }
0x71: {  	s13 =	smul.u32 $0x320, s0;
	_ =	swait.ge @!p0 [sflag:s12], $0x3200  }
0x72: {  	[sflag:s12] =	ssyncset.done @!p0 $0x0  }
0x73: {  	s15 =	sshra.s32 s13, $0x2;
	[sflag:s12] =	ssyncadd.s32 @!p0 $0xFFFFCE00  }
0x74: {  	[tilespmem:s18], [sflag:$0x3] =	stream.indirect.gather [hbm4b:s4+s9], $0x40, s15, s9, $0xb8;
	[tilespmem:$0x12C00] =	vst v63  }
0x75: {  	s12 =	sadd.s32 $0x68, s15  }
0x76: {  	[tilespmem:s19], [sflag:$0x3] =	stream.indirect.gather [hbm4b:s4+s11], $0x40, s12, s11, $0xb8;
	[tilespmem:$0x12C00] =	vst v63  }
0x77: {  	_ =	swait.ge [sflag:s20], $0x3200  }
0x78: {  	[sflag:s20] =	ssyncset.done $0x0  }
0x79: {  	s12 =	simm.s32 $0x97F0;
	[sflag:s20] =	ssyncadd.s32 $0xFFFFCE00  }
0x7a: {  	v0 =	vld [tilespmem:s12+$0x0]  }
0x7b: {  	v1 =	vld [tilespmem:s12+$0xFFFFFE20]  }
0x7c: {  	v2 =	vld [tilespmem:s12+$0xFFFFFE30]  }
0x7d: {  	v3 =	vld [tilespmem:s12+$0xFFFFFE40]  }
0x7e: {  	v4 =	vld [tilespmem:s12+$0xFFFFFE50]  }
0x7f: {  	v5 =	vld [tilespmem:s12+$0xFFFFFE60];
	v0 =	vmul.f32 $8.000000000e+00, v0  }
0x80: {  	v6 =	vld [tilespmem:s12+$0xFFFFFE70];
	v1 =	vmul.f32 $8.000000000e+00, v1  }
0x81: {  	v7 =	vld [tilespmem:s12+$0xFFFFFE80];
	v2 =	vmul.f32 $8.000000000e+00, v2;
	[tilespmem:s12+$0x0] =	vst v0  }
0x82: {  	[tilespmem:s12+$0xFFFFFE20] =	vst v1;
	v0 =	vmul.f32 $8.000000000e+00, v3;
	v1 =	vld [tilespmem:s12+$0xFFFFFE90]  }
0x83: {  	[tilespmem:s12+$0xFFFFFE30] =	vst v2;
	v2 =	vmul.f32 $8.000000000e+00, v4;
	v3 =	vld [tilespmem:s12+$0xFFFFFEA0]  }
0x84: {  	v4 =	vld [tilespmem:s12+$0xFFFFFEB0];
	[tilespmem:s12+$0xFFFFFE40] =	vst v0;
	v0 =	vmul.f32 $8.000000000e+00, v5  }
0x85: {  	[tilespmem:s12+$0xFFFFFE50] =	vst v2;
	v2 =	vmul.f32 $8.000000000e+00, v6;
	v5 =	vld [tilespmem:s12+$0xFFFFFEC0]  }
0x86: {  	v6 =	vld [tilespmem:s12+$0xFFFFFED0];
	[tilespmem:s12+$0xFFFFFE60] =	vst v0;
	v0 =	vmul.f32 $8.000000000e+00, v7  }
0x87: {  	[tilespmem:s12+$0xFFFFFE70] =	vst v2;
	v2 =	vld [tilespmem:s12+$0xFFFFFEE0];
	v1 =	vmul.f32 $8.000000000e+00, v1  }
0x88: {  	[tilespmem:s12+$0xFFFFFE80] =	vst v0;
	v0 =	vmul.f32 $8.000000000e+00, v3;
	v3 =	vld [tilespmem:s12+$0xFFFFFEF0]  }
0x89: {  	[tilespmem:s12+$0xFFFFFE90] =	vst v1;
	v1 =	vmul.f32 $8.000000000e+00, v4;
	v4 =	vld [tilespmem:s12+$0xFFFFFF00]  }
0x8a: {  	[tilespmem:s12+$0xFFFFFEA0] =	vst v0;
	v0 =	vmul.f32 $8.000000000e+00, v5;
	v5 =	vld [tilespmem:s12+$0xFFFFFF10]  }
0x8b: {  	[tilespmem:s12+$0xFFFFFEB0] =	vst v1;
	v1 =	vmul.f32 $8.000000000e+00, v6;
	v6 =	vld [tilespmem:s12+$0xFFFFFF20]  }
0x8c: {  	[tilespmem:s12+$0xFFFFFEC0] =	vst v0;
	v0 =	vmul.f32 $8.000000000e+00, v2;
	v2 =	vld [tilespmem:s12+$0xFFFFFF30]  }
0x8d: {  	[tilespmem:s12+$0xFFFFFED0] =	vst v1;
	v1 =	vmul.f32 $8.000000000e+00, v3;
	v3 =	vld [tilespmem:s12+$0xFFFFFF40]  }
0x8e: {  	[tilespmem:s12+$0xFFFFFEE0] =	vst v0;
	v0 =	vmul.f32 $8.000000000e+00, v4;
	v4 =	vld [tilespmem:s12+$0xFFFFFF50]  }
0x8f: {  	[tilespmem:s12+$0xFFFFFEF0] =	vst v1;
	v1 =	vmul.f32 $8.000000000e+00, v5;
	v5 =	vld [tilespmem:s12+$0xFFFFFF60]  }
0x90: {  	[tilespmem:s12+$0xFFFFFF00] =	vst v0;
	v0 =	vmul.f32 $8.000000000e+00, v6;
	v6 =	vld [tilespmem:s12+$0xFFFFFF70]  }
0x91: {  	[tilespmem:s12+$0xFFFFFF10] =	vst v1;
	v1 =	vmul.f32 $8.000000000e+00, v2;
	v2 =	vld [tilespmem:s12+$0xFFFFFF80]  }
0x92: {  	[tilespmem:s12+$0xFFFFFF20] =	vst v0;
	v0 =	vmul.f32 $8.000000000e+00, v3;
	v3 =	vld [tilespmem:s12+$0xFFFFFF90]  }
0x93: {  	v7 =	vld [tilespmem:s12+$0xFFFFFFA0];
	[tilespmem:s12+$0xFFFFFF30] =	vst v1;
	v1 =	vmul.f32 $8.000000000e+00, v4  }
0x94: {  	v8 =	vld [tilespmem:s12+$0xFFFFFFB0];
	[tilespmem:s12+$0xFFFFFF40] =	vst v0;
	v4 =	vmul.f32 $8.000000000e+00, v5  }
0x95: {  	v0 =	vld [tilespmem:s12+$0xFFFFFFC0];
	[tilespmem:s12+$0xFFFFFF50] =	vst v1;
	v5 =	vmul.f32 $8.000000000e+00, v6  }
0x96: {  	v1 =	vld [tilespmem:s12+$0xFFFFFFD0];
	[tilespmem:s12+$0xFFFFFF60] =	vst v4;
	v2 =	vmul.f32 $8.000000000e+00, v2  }
0x97: {  	v4 =	vld [tilespmem:s12+$0xFFFFFFE0];
	[tilespmem:s12+$0xFFFFFF70] =	vst v5;
	v6 =	vmul.f32 $8.000000000e+00, v3  }
0x98: {  	v5 =	vmul.f32 $8.000000000e+00, v7;
	[tilespmem:s12+$0xFFFFFF80] =	vst v2;
	v2 =	vld [tilespmem:s12+$0xFFFFFFF0]  }
0x99: {  	s13 =	simm.s32 $0x0;
	s15 =	simm.s32 $0x99F0;
	v3 =	vld [tilespmem:s12+$0xFFFFFE10];
	[tilespmem:s12+$0xFFFFFF90] =	vst v6;
	v6 =	vmul.f32 $8.000000000e+00, v8  }
.LBB2_5:
0x9a: {  	v7 =	vld [tilespmem:s15+$0x0];
	s13 =	sadd.s32 $0x8, s13;
	[tilespmem:s12+$0xFFFFFFA0] =	vst v5;
	v0 =	vmul.f32 $8.000000000e+00, v0  }
0x9b: {  	v5 =	vld [tilespmem:s15+$0xFFFFFE20];
	p1 =	slt.u32 s13, $0xC0;
	[tilespmem:s12+$0xFFFFFFB0] =	vst v6;
	v1 =	vmul.f32 $8.000000000e+00, v1  }
0x9c: {  	v6 =	vld [tilespmem:s15+$0xFFFFFE30];
	[tilespmem:s12+$0xFFFFFFC0] =	vst v0;
	v0 =	vmul.f32 $8.000000000e+00, v4  }
0x9d: {  	v4 =	vld [tilespmem:s15+$0xFFFFFE40];
	[tilespmem:s12+$0xFFFFFFD0] =	vst v1;
	v1 =	vmul.f32 $8.000000000e+00, v2  }
0x9e: {  	v2 =	vld [tilespmem:s15+$0xFFFFFE50];
	v3 =	vmul.f32 $8.000000000e+00, v3;
	[tilespmem:s12+$0xFFFFFFE0] =	vst v0  }
0x9f: {  	v0 =	vld [tilespmem:s15+$0xFFFFFE60];
	v7 =	vmul.f32 $8.000000000e+00, v7;
	[tilespmem:s12+$0xFFFFFFF0] =	vst v1  }
0xa0: {  	v1 =	vmul.f32 $8.000000000e+00, v5;
	v5 =	vld [tilespmem:s15+$0xFFFFFE70];
	[tilespmem:s12+$0xFFFFFE10] =	vst v3;
	s12 =	smov.u32 s15  }
0xa1: {  	v3 =	vmul.f32 $8.000000000e+00, v6;
	v6 =	vld [tilespmem:s15+$0xFFFFFE80];
	[tilespmem:s15+$0x0] =	vst v7  }
0xa2: {  	[tilespmem:s15+$0xFFFFFE20] =	vst v1;
	v1 =	vmul.f32 $8.000000000e+00, v4;
	v4 =	vld [tilespmem:s15+$0xFFFFFE90]  }
0xa3: {  	[tilespmem:s15+$0xFFFFFE30] =	vst v3;
	v2 =	vmul.f32 $8.000000000e+00, v2;
	v3 =	vld [tilespmem:s15+$0xFFFFFEA0]  }
0xa4: {  	[tilespmem:s15+$0xFFFFFE40] =	vst v1;
	v0 =	vmul.f32 $8.000000000e+00, v0;
	v1 =	vld [tilespmem:s15+$0xFFFFFEB0]  }
0xa5: {  	[tilespmem:s15+$0xFFFFFE50] =	vst v2;
	v2 =	vmul.f32 $8.000000000e+00, v5;
	v5 =	vld [tilespmem:s15+$0xFFFFFEC0]  }
0xa6: {  	[tilespmem:s15+$0xFFFFFE60] =	vst v0;
	v0 =	vmul.f32 $8.000000000e+00, v6;
	v6 =	vld [tilespmem:s15+$0xFFFFFED0]  }
0xa7: {  	[tilespmem:s15+$0xFFFFFE70] =	vst v2;
	v2 =	vmul.f32 $8.000000000e+00, v4;
	v4 =	vld [tilespmem:s15+$0xFFFFFEE0]  }
0xa8: {  	[tilespmem:s15+$0xFFFFFE80] =	vst v0;
	v0 =	vmul.f32 $8.000000000e+00, v3;
	v3 =	vld [tilespmem:s15+$0xFFFFFEF0]  }
0xa9: {  	[tilespmem:s15+$0xFFFFFE90] =	vst v2;
	v1 =	vmul.f32 $8.000000000e+00, v1;
	v2 =	vld [tilespmem:s15+$0xFFFFFF00]  }
0xaa: {  	[tilespmem:s15+$0xFFFFFEA0] =	vst v0;
	v0 =	vmul.f32 $8.000000000e+00, v5;
	v5 =	vld [tilespmem:s15+$0xFFFFFF10]  }
0xab: {  	[tilespmem:s15+$0xFFFFFEB0] =	vst v1;
	v1 =	vmul.f32 $8.000000000e+00, v6;
	v6 =	vld [tilespmem:s15+$0xFFFFFF20]  }
0xac: {  	[tilespmem:s15+$0xFFFFFEC0] =	vst v0;
	v0 =	vmul.f32 $8.000000000e+00, v4;
	v4 =	vld [tilespmem:s15+$0xFFFFFF30]  }
0xad: {  	[tilespmem:s15+$0xFFFFFED0] =	vst v1;
	v1 =	vmul.f32 $8.000000000e+00, v3;
	v3 =	vld [tilespmem:s15+$0xFFFFFF40]  }
0xae: {  	[tilespmem:s15+$0xFFFFFEE0] =	vst v0;
	v0 =	vmul.f32 $8.000000000e+00, v2;
	v2 =	vld [tilespmem:s15+$0xFFFFFF50]  }
0xaf: {  	[tilespmem:s15+$0xFFFFFEF0] =	vst v1;
	v1 =	vmul.f32 $8.000000000e+00, v5;
	v5 =	vld [tilespmem:s15+$0xFFFFFF60]  }
0xb0: {  	[tilespmem:s15+$0xFFFFFF00] =	vst v0;
	v0 =	vmul.f32 $8.000000000e+00, v6;
	v6 =	vld [tilespmem:s15+$0xFFFFFF70]  }
0xb1: {  	[tilespmem:s15+$0xFFFFFF10] =	vst v1;
	v1 =	vmul.f32 $8.000000000e+00, v4;
	v4 =	vld [tilespmem:s15+$0xFFFFFF80]  }
0xb2: {  	[tilespmem:s15+$0xFFFFFF20] =	vst v0;
	v0 =	vmul.f32 $8.000000000e+00, v3;
	v3 =	vld [tilespmem:s15+$0xFFFFFF90]  }
0xb3: {  	[tilespmem:s15+$0xFFFFFF30] =	vst v1;
	v1 =	vmul.f32 $8.000000000e+00, v2;
	v2 =	vld [tilespmem:s15+$0xFFFFFFA0]  }
0xb4: {  	[tilespmem:s15+$0xFFFFFF40] =	vst v0;
	v5 =	vmul.f32 $8.000000000e+00, v5;
	v7 =	vld [tilespmem:s15+$0xFFFFFFB0]  }
.Ltmp3:
0xb5: {  	[tilespmem:s15+$0xFFFFFF50] =	vst v1;
	v6 =	vmul.f32 $8.000000000e+00, v6;
	v0 =	vld [tilespmem:s15+$0xFFFFFFC0];
	(pc) =	sbr.rel @p1 .LBB2_5-.Ltmp3, $4  }
0xb6: {  	[tilespmem:s15+$0xFFFFFF60] =	vst v5;
	v5 =	vmul.f32 $8.000000000e+00, v4;
	v1 =	vld [tilespmem:s15+$0xFFFFFFD0]  }
0xb7: {  	[tilespmem:s15+$0xFFFFFF70] =	vst v6;
	v6 =	vmul.f32 $8.000000000e+00, v3;
	v4 =	vld [tilespmem:s15+$0xFFFFFFE0]  }
0xb8: {  	[tilespmem:s15+$0xFFFFFF80] =	vst v5;
	v5 =	vmul.f32 $8.000000000e+00, v2;
	v2 =	vld [tilespmem:s15+$0xFFFFFFF0]  }
0xb9: {  	s15 =	sadd.s32 $0x200, s15;
	v3 =	vld [tilespmem:s12+$0xFFFFFE10];
	[tilespmem:s12+$0xFFFFFF90] =	vst v6;
	v6 =	vmul.f32 $8.000000000e+00, v7  }
0xba: {  	[tilespmem:s12+$0xFFFFFFA0] =	vst v5;
	v0 =	vmul.f32 $8.000000000e+00, v0  }
0xbb: {  	[tilespmem:s12+$0xFFFFFFB0] =	vst v6;
	v1 =	vmul.f32 $8.000000000e+00, v1  }
0xbc: {  	s13 =	sadd.s32 s1, s5;
	[tilespmem:s12+$0xFFFFFFC0] =	vst v0;
	v0 =	vmul.f32 $8.000000000e+00, v4  }
0xbd: {  	s13 =	smul.u32 $0x640, s13;
	[tilespmem:s12+$0xFFFFFFD0] =	vst v1;
	v1 =	vmul.f32 $8.000000000e+00, v2  }
0xbe: {  	v2 =	vmul.f32 $8.000000000e+00, v3;
	[tilespmem:s12+$0xFFFFFFE0] =	vst v0  }
0xbf: {  	s13 =	sadd.s32 s2, s13;
	[tilespmem:s12+$0xFFFFFFF0] =	vst v1  }
0xc0: {  	s1 =	sor.u32 $0x3, s1;
	s13 =	sadd.s32 $0x640, s13;
	[tilespmem:s12+$0xFFFFFE10] =	vst v2;
	s12 =	simm.s32 @!p0 $0x8  }
0xc1: {  	[hbm4b:s13+s3] =	stream.linear.scatter [tilespmem:s14], [sflag:$0x6], $0x3200, $0x38;
	[tilespmem:$0x12C00] =	vst v63  }
0xc2: {  	s15 =	smul.u32 $0x320, s1;
	_ =	swait.ge @!p0 [sflag:s12], $0x3200  }
0xc3: {  	[sflag:s12] =	ssyncset.done @!p0 $0x0  }
0xc4: {  	s15 =	sshra.s32 s15, $0x2;
	[sflag:s12] =	ssyncadd.s32 @!p0 $0xFFFFCE00  }
0xc5: {  	[tilespmem:s21], [sflag:$0x4] =	stream.indirect.gather [hbm4b:s4+s9], $0x40, s15, s9, $0xb8;
	[tilespmem:$0x12C00] =	vst v63  }
0xc6: {  	s12 =	sadd.s32 $0x68, s15  }
0xc7: {  	[tilespmem:s22], [sflag:$0x4] =	stream.indirect.gather [hbm4b:s4+s11], $0x40, s12, s11, $0xb8;
	[tilespmem:$0x12C00] =	vst v63  }
0xc8: {  	_ =	swait.ge [sflag:s23], $0x3200  }
0xc9: {  	[sflag:s23] =	ssyncset.done $0x0  }
0xca: {  	s12 =	simm.s32 $0xC800;
	[sflag:s23] =	ssyncadd.s32 $0xFFFFCE00  }
0xcb: {  	v0 =	vld [tilespmem:s12+$0x1F0]  }
0xcc: {  	v1 =	vld [tilespmem:s12+$0x10]  }
0xcd: {  	v2 =	vld [tilespmem:s12+$0x20]  }
0xce: {  	v3 =	vld [tilespmem:s12+$0x30]  }
0xcf: {  	v4 =	vld [tilespmem:s12+$0x40]  }
0xd0: {  	v5 =	vld [tilespmem:s12+$0x50];
	v0 =	vmul.f32 $8.000000000e+00, v0  }
0xd1: {  	v6 =	vld [tilespmem:s12+$0x60];
	v1 =	vmul.f32 $8.000000000e+00, v1  }
0xd2: {  	v7 =	vld [tilespmem:s12+$0x70];
	v2 =	vmul.f32 $8.000000000e+00, v2;
	[tilespmem:s12+$0x1F0] =	vst v0  }
0xd3: {  	[tilespmem:s12+$0x10] =	vst v1;
	v0 =	vmul.f32 $8.000000000e+00, v3;
	v1 =	vld [tilespmem:s12+$0x80]  }
0xd4: {  	[tilespmem:s12+$0x20] =	vst v2;
	v2 =	vmul.f32 $8.000000000e+00, v4;
	v3 =	vld [tilespmem:s12+$0x90]  }
0xd5: {  	v4 =	vld [tilespmem:s12+$0xA0];
	[tilespmem:s12+$0x30] =	vst v0;
	v0 =	vmul.f32 $8.000000000e+00, v5  }
0xd6: {  	[tilespmem:s12+$0x40] =	vst v2;
	v2 =	vmul.f32 $8.000000000e+00, v6;
	v5 =	vld [tilespmem:s12+$0xB0]  }
0xd7: {  	v6 =	vld [tilespmem:s12+$0xC0];
	[tilespmem:s12+$0x50] =	vst v0;
	v0 =	vmul.f32 $8.000000000e+00, v7  }
0xd8: {  	[tilespmem:s12+$0x60] =	vst v2;
	v2 =	vld [tilespmem:s12+$0xD0];
	v1 =	vmul.f32 $8.000000000e+00, v1  }
0xd9: {  	[tilespmem:s12+$0x70] =	vst v0;
	v0 =	vmul.f32 $8.000000000e+00, v3;
	v3 =	vld [tilespmem:s12+$0xE0]  }
0xda: {  	[tilespmem:s12+$0x80] =	vst v1;
	v1 =	vmul.f32 $8.000000000e+00, v4;
	v4 =	vld [tilespmem:s12+$0xF0]  }
0xdb: {  	[tilespmem:s12+$0x90] =	vst v0;
	v0 =	vmul.f32 $8.000000000e+00, v5;
	v5 =	vld [tilespmem:s12+$0x100]  }
0xdc: {  	[tilespmem:s12+$0xA0] =	vst v1;
	v1 =	vmul.f32 $8.000000000e+00, v6;
	v6 =	vld [tilespmem:s12+$0x110]  }
0xdd: {  	[tilespmem:s12+$0xB0] =	vst v0;
	v0 =	vmul.f32 $8.000000000e+00, v2;
	v2 =	vld [tilespmem:s12+$0x120]  }
0xde: {  	[tilespmem:s12+$0xC0] =	vst v1;
	v1 =	vmul.f32 $8.000000000e+00, v3;
	v3 =	vld [tilespmem:s12+$0x130]  }
0xdf: {  	[tilespmem:s12+$0xD0] =	vst v0;
	v0 =	vmul.f32 $8.000000000e+00, v4;
	v4 =	vld [tilespmem:s12+$0x140]  }
0xe0: {  	[tilespmem:s12+$0xE0] =	vst v1;
	v1 =	vmul.f32 $8.000000000e+00, v5;
	v5 =	vld [tilespmem:s12+$0x150]  }
0xe1: {  	[tilespmem:s12+$0xF0] =	vst v0;
	v0 =	vmul.f32 $8.000000000e+00, v6;
	v6 =	vld [tilespmem:s12+$0x160]  }
0xe2: {  	[tilespmem:s12+$0x100] =	vst v1;
	v1 =	vmul.f32 $8.000000000e+00, v2;
	v2 =	vld [tilespmem:s12+$0x170]  }
0xe3: {  	[tilespmem:s12+$0x110] =	vst v0;
	v0 =	vmul.f32 $8.000000000e+00, v3;
	v3 =	vld [tilespmem:s12+$0x180]  }
0xe4: {  	[tilespmem:s12+$0x120] =	vst v1;
	v1 =	vmul.f32 $8.000000000e+00, v4;
	v4 =	vld [tilespmem:s12+$0x190]  }
0xe5: {  	v7 =	vld [tilespmem:s12+$0x1A0];
	[tilespmem:s12+$0x130] =	vst v0;
	v5 =	vmul.f32 $8.000000000e+00, v5  }
0xe6: {  	v0 =	vld [tilespmem:s12+$0x1B0];
	[tilespmem:s12+$0x140] =	vst v1;
	v6 =	vmul.f32 $8.000000000e+00, v6  }
0xe7: {  	v1 =	vld [tilespmem:s12+$0x1C0];
	[tilespmem:s12+$0x150] =	vst v5;
	v5 =	vmul.f32 $8.000000000e+00, v2  }
0xe8: {  	v2 =	vld [tilespmem:s12+$0x1D0];
	[tilespmem:s12+$0x160] =	vst v6;
	v6 =	vmul.f32 $8.000000000e+00, v3  }
0xe9: {  	v3 =	vld [tilespmem:s12+$0x1E0];
	[tilespmem:s12+$0x170] =	vst v5;
	v5 =	vmul.f32 $8.000000000e+00, v4  }
0xea: {  	s13 =	simm.s32 $0x0;
	s15 =	simm.s32 $0xCA00;
	v4 =	vld [tilespmem:s12+$0x0];
	[tilespmem:s12+$0x180] =	vst v6;
	v6 =	vmul.f32 $8.000000000e+00, v7  }
.LBB2_7:
0xeb: {  	v7 =	vld [tilespmem:s15+$0x1F0];
	s13 =	sadd.s32 $0x8, s13;
	[tilespmem:s12+$0x190] =	vst v5;
	v0 =	vmul.f32 $8.000000000e+00, v0  }
0xec: {  	v5 =	vld [tilespmem:s15+$0x10];
	p0 =	slt.u32 s13, $0xC0;
	[tilespmem:s12+$0x1A0] =	vst v6;
	v1 =	vmul.f32 $8.000000000e+00, v1  }
0xed: {  	v6 =	vld [tilespmem:s15+$0x20];
	[tilespmem:s12+$0x1B0] =	vst v0;
	v0 =	vmul.f32 $8.000000000e+00, v2  }
0xee: {  	v2 =	vld [tilespmem:s15+$0x30];
	[tilespmem:s12+$0x1C0] =	vst v1;
	v1 =	vmul.f32 $8.000000000e+00, v3  }
0xef: {  	v3 =	vld [tilespmem:s15+$0x40];
	v4 =	vmul.f32 $8.000000000e+00, v4;
	[tilespmem:s12+$0x1D0] =	vst v0  }
0xf0: {  	v0 =	vld [tilespmem:s15+$0x50];
	v7 =	vmul.f32 $8.000000000e+00, v7;
	[tilespmem:s12+$0x1E0] =	vst v1  }
0xf1: {  	v1 =	vmul.f32 $8.000000000e+00, v5;
	v5 =	vld [tilespmem:s15+$0x60];
	[tilespmem:s12+$0x0] =	vst v4;
	s12 =	smov.u32 s15  }
0xf2: {  	v4 =	vmul.f32 $8.000000000e+00, v6;
	v6 =	vld [tilespmem:s15+$0x70];
	[tilespmem:s15+$0x1F0] =	vst v7  }
0xf3: {  	[tilespmem:s15+$0x10] =	vst v1;
	v1 =	vmul.f32 $8.000000000e+00, v2;
	v2 =	vld [tilespmem:s15+$0x80]  }
0xf4: {  	[tilespmem:s15+$0x20] =	vst v4;
	v3 =	vmul.f32 $8.000000000e+00, v3;
	v4 =	vld [tilespmem:s15+$0x90]  }
0xf5: {  	[tilespmem:s15+$0x30] =	vst v1;
	v0 =	vmul.f32 $8.000000000e+00, v0;
	v1 =	vld [tilespmem:s15+$0xA0]  }
0xf6: {  	[tilespmem:s15+$0x40] =	vst v3;
	v3 =	vmul.f32 $8.000000000e+00, v5;
	v5 =	vld [tilespmem:s15+$0xB0]  }
0xf7: {  	[tilespmem:s15+$0x50] =	vst v0;
	v0 =	vmul.f32 $8.000000000e+00, v6;
	v6 =	vld [tilespmem:s15+$0xC0]  }
0xf8: {  	[tilespmem:s15+$0x60] =	vst v3;
	v2 =	vmul.f32 $8.000000000e+00, v2;
	v3 =	vld [tilespmem:s15+$0xD0]  }
0xf9: {  	[tilespmem:s15+$0x70] =	vst v0;
	v0 =	vmul.f32 $8.000000000e+00, v4;
	v4 =	vld [tilespmem:s15+$0xE0]  }
0xfa: {  	[tilespmem:s15+$0x80] =	vst v2;
	v1 =	vmul.f32 $8.000000000e+00, v1;
	v2 =	vld [tilespmem:s15+$0xF0]  }
0xfb: {  	[tilespmem:s15+$0x90] =	vst v0;
	v0 =	vmul.f32 $8.000000000e+00, v5;
	v5 =	vld [tilespmem:s15+$0x100]  }
0xfc: {  	[tilespmem:s15+$0xA0] =	vst v1;
	v1 =	vmul.f32 $8.000000000e+00, v6;
	v6 =	vld [tilespmem:s15+$0x110]  }
0xfd: {  	[tilespmem:s15+$0xB0] =	vst v0;
	v0 =	vmul.f32 $8.000000000e+00, v3;
	v3 =	vld [tilespmem:s15+$0x120]  }
0xfe: {  	[tilespmem:s15+$0xC0] =	vst v1;
	v1 =	vmul.f32 $8.000000000e+00, v4;
	v4 =	vld [tilespmem:s15+$0x130]  }
0xff: {  	[tilespmem:s15+$0xD0] =	vst v0;
	v0 =	vmul.f32 $8.000000000e+00, v2;
	v2 =	vld [tilespmem:s15+$0x140]  }
0x100: {  	[tilespmem:s15+$0xE0] =	vst v1;
	v1 =	vmul.f32 $8.000000000e+00, v5;
	v5 =	vld [tilespmem:s15+$0x150]  }
0x101: {  	[tilespmem:s15+$0xF0] =	vst v0;
	v0 =	vmul.f32 $8.000000000e+00, v6;
	v6 =	vld [tilespmem:s15+$0x160]  }
0x102: {  	[tilespmem:s15+$0x100] =	vst v1;
	v1 =	vmul.f32 $8.000000000e+00, v3;
	v3 =	vld [tilespmem:s15+$0x170]  }
0x103: {  	[tilespmem:s15+$0x110] =	vst v0;
	v0 =	vmul.f32 $8.000000000e+00, v4;
	v4 =	vld [tilespmem:s15+$0x180]  }
0x104: {  	[tilespmem:s15+$0x120] =	vst v1;
	v1 =	vmul.f32 $8.000000000e+00, v2;
	v7 =	vld [tilespmem:s15+$0x190]  }
0x105: {  	[tilespmem:s15+$0x130] =	vst v0;
	v2 =	vmul.f32 $8.000000000e+00, v5;
	v8 =	vld [tilespmem:s15+$0x1A0]  }
.Ltmp4:
0x106: {  	[tilespmem:s15+$0x140] =	vst v1;
	v5 =	vmul.f32 $8.000000000e+00, v6;
	v0 =	vld [tilespmem:s15+$0x1B0];
	(pc) =	sbr.rel @p0 .LBB2_7-.Ltmp4, $4  }
0x107: {  	[tilespmem:s15+$0x150] =	vst v2;
	v3 =	vmul.f32 $8.000000000e+00, v3;
	v1 =	vld [tilespmem:s15+$0x1C0]  }
0x108: {  	[tilespmem:s15+$0x160] =	vst v5;
	v6 =	vmul.f32 $8.000000000e+00, v4;
	v2 =	vld [tilespmem:s15+$0x1D0]  }
0x109: {  	[tilespmem:s15+$0x170] =	vst v3;
	v5 =	vmul.f32 $8.000000000e+00, v7;
	v3 =	vld [tilespmem:s15+$0x1E0]  }
0x10a: {  	s15 =	sadd.s32 $0x200, s15;
	v4 =	vld [tilespmem:s12+$0x0];
	[tilespmem:s12+$0x180] =	vst v6;
	v6 =	vmul.f32 $8.000000000e+00, v8  }
0x10b: {  	[tilespmem:s12+$0x190] =	vst v5;
	v0 =	vmul.f32 $8.000000000e+00, v0  }
0x10c: {  	[tilespmem:s12+$0x1A0] =	vst v6;
	v1 =	vmul.f32 $8.000000000e+00, v1  }
0x10d: {  	[tilespmem:s12+$0x1B0] =	vst v0;
	v0 =	vmul.f32 $8.000000000e+00, v2  }
0x10e: {  	s0 =	sadd.s32 s5, s0;
	[tilespmem:s12+$0x1C0] =	vst v1;
	v1 =	vmul.f32 $8.000000000e+00, v3  }
0x10f: {  	s0 =	smul.u32 $0x640, s0;
	v2 =	vmul.f32 $8.000000000e+00, v4;
	[tilespmem:s12+$0x1D0] =	vst v0  }
0x110: {  	[tilespmem:s12+$0x1E0] =	vst v1  }
0x111: {  	p0 =	seq.s32 s31, $0x1F;
	s0 =	sadd.s32 s2, s0;
	[tilespmem:s12+$0x0] =	vst v2  }
0x112: {  	[hbm4b:s0+s3] =	stream.linear.scatter [tilespmem:s18], [sflag:$0x7], $0x3200, $0x38;
	[tilespmem:$0x12C00] =	vst v63  }
0x113: {  	s0 =	simm.s32 @!p0 $0x5  }
0x114: {  	s12 =	smul.u32 @!p0 $0xC80, s31;
	_ =	swait.ge @!p0 [sflag:s0], $0x3200  }
0x115: {  	[sflag:s0] =	ssyncset.done @!p0 $0x0  }
0x116: {  	[sflag:s0] =	ssyncadd.s32 @!p0 $0xFFFFCE00;
	s0 =	sshra.s32 @!p0 s12, $0x2  }
0x117: {  	s13 =	simm.s32 @!p0 $0x68;
	s15 =	simm.s32 @!p0 $0x6400;
	s12 =	sadd.s32 @!p0 $0x320, s0  }
0x118: {  	[tilespmem:s15], [sflag:$0x1] =	stream.indirect.gather @!p0 [hbm4b:s4+s13], $0x40, s12, s13, $0xb8;
	[tilespmem:$0x12C00] =	vst v63  }
0x119: {  	s0 =	sadd.s32 @!p0 $0x388, s0;
	s12 =	simm.s32 @!p0 $0x60;
	s13 =	simm.s32 @!p0 $0x7E00  }
0x11a: {  	[tilespmem:s13], [sflag:$0x1] =	stream.indirect.gather @!p0 [hbm4b:s4+s12], $0x40, s0, s12, $0xb8;
	[tilespmem:$0x12C00] =	vst v63  }
0x11b: {  	_ =	swait.ge [sflag:s24], $0x3200  }
0x11c: {  	[sflag:s24] =	ssyncset.done $0x0  }
0x11d: {  	s0 =	simm.s32 $0xFA00;
	[sflag:s24] =	ssyncadd.s32 $0xFFFFCE00  }
0x11e: {  	v0 =	vld [tilespmem:s0+$0x1F0]  }
0x11f: {  	v1 =	vld [tilespmem:s0+$0x10]  }
0x120: {  	v2 =	vld [tilespmem:s0+$0x20]  }
0x121: {  	v3 =	vld [tilespmem:s0+$0x30]  }
0x122: {  	v4 =	vld [tilespmem:s0+$0x40]  }
0x123: {  	v5 =	vld [tilespmem:s0+$0x50];
	v0 =	vmul.f32 $8.000000000e+00, v0  }
0x124: {  	v6 =	vld [tilespmem:s0+$0x60];
	v1 =	vmul.f32 $8.000000000e+00, v1  }
0x125: {  	v7 =	vld [tilespmem:s0+$0x70];
	v2 =	vmul.f32 $8.000000000e+00, v2;
	[tilespmem:s0+$0x1F0] =	vst v0  }
0x126: {  	[tilespmem:s0+$0x10] =	vst v1;
	v0 =	vmul.f32 $8.000000000e+00, v3;
	v1 =	vld [tilespmem:s0+$0x80]  }
0x127: {  	[tilespmem:s0+$0x20] =	vst v2;
	v2 =	vmul.f32 $8.000000000e+00, v4;
	v3 =	vld [tilespmem:s0+$0x90]  }
0x128: {  	v4 =	vld [tilespmem:s0+$0xA0];
	[tilespmem:s0+$0x30] =	vst v0;
	v0 =	vmul.f32 $8.000000000e+00, v5  }
0x129: {  	[tilespmem:s0+$0x40] =	vst v2;
	v2 =	vmul.f32 $8.000000000e+00, v6;
	v5 =	vld [tilespmem:s0+$0xB0]  }
0x12a: {  	v6 =	vld [tilespmem:s0+$0xC0];
	[tilespmem:s0+$0x50] =	vst v0;
	v0 =	vmul.f32 $8.000000000e+00, v7  }
0x12b: {  	[tilespmem:s0+$0x60] =	vst v2;
	v2 =	vld [tilespmem:s0+$0xD0];
	v1 =	vmul.f32 $8.000000000e+00, v1  }
0x12c: {  	[tilespmem:s0+$0x70] =	vst v0;
	v0 =	vmul.f32 $8.000000000e+00, v3;
	v3 =	vld [tilespmem:s0+$0xE0]  }
0x12d: {  	[tilespmem:s0+$0x80] =	vst v1;
	v1 =	vmul.f32 $8.000000000e+00, v4;
	v4 =	vld [tilespmem:s0+$0xF0]  }
0x12e: {  	[tilespmem:s0+$0x90] =	vst v0;
	v0 =	vmul.f32 $8.000000000e+00, v5;
	v5 =	vld [tilespmem:s0+$0x100]  }
0x12f: {  	[tilespmem:s0+$0xA0] =	vst v1;
	v1 =	vmul.f32 $8.000000000e+00, v6;
	v6 =	vld [tilespmem:s0+$0x110]  }
0x130: {  	[tilespmem:s0+$0xB0] =	vst v0;
	v0 =	vmul.f32 $8.000000000e+00, v2;
	v2 =	vld [tilespmem:s0+$0x120]  }
0x131: {  	[tilespmem:s0+$0xC0] =	vst v1;
	v1 =	vmul.f32 $8.000000000e+00, v3;
	v3 =	vld [tilespmem:s0+$0x130]  }
0x132: {  	[tilespmem:s0+$0xD0] =	vst v0;
	v0 =	vmul.f32 $8.000000000e+00, v4;
	v4 =	vld [tilespmem:s0+$0x140]  }
0x133: {  	[tilespmem:s0+$0xE0] =	vst v1;
	v1 =	vmul.f32 $8.000000000e+00, v5;
	v5 =	vld [tilespmem:s0+$0x150]  }
0x134: {  	[tilespmem:s0+$0xF0] =	vst v0;
	v0 =	vmul.f32 $8.000000000e+00, v6;
	v6 =	vld [tilespmem:s0+$0x160]  }
0x135: {  	[tilespmem:s0+$0x100] =	vst v1;
	v1 =	vmul.f32 $8.000000000e+00, v2;
	v2 =	vld [tilespmem:s0+$0x170]  }
0x136: {  	[tilespmem:s0+$0x110] =	vst v0;
	v0 =	vmul.f32 $8.000000000e+00, v3;
	v3 =	vld [tilespmem:s0+$0x180]  }
0x137: {  	[tilespmem:s0+$0x120] =	vst v1;
	v1 =	vmul.f32 $8.000000000e+00, v4;
	v4 =	vld [tilespmem:s0+$0x190]  }
0x138: {  	v7 =	vld [tilespmem:s0+$0x1A0];
	[tilespmem:s0+$0x130] =	vst v0;
	v5 =	vmul.f32 $8.000000000e+00, v5  }
0x139: {  	v0 =	vld [tilespmem:s0+$0x1B0];
	[tilespmem:s0+$0x140] =	vst v1;
	v6 =	vmul.f32 $8.000000000e+00, v6  }
0x13a: {  	v1 =	vld [tilespmem:s0+$0x1C0];
	[tilespmem:s0+$0x150] =	vst v5;
	v5 =	vmul.f32 $8.000000000e+00, v2  }
0x13b: {  	v2 =	vld [tilespmem:s0+$0x1D0];
	[tilespmem:s0+$0x160] =	vst v6;
	v6 =	vmul.f32 $8.000000000e+00, v3  }
0x13c: {  	v3 =	vld [tilespmem:s0+$0x1E0];
	[tilespmem:s0+$0x170] =	vst v5;
	v5 =	vmul.f32 $8.000000000e+00, v4  }
0x13d: {  	s12 =	simm.s32 $0x0;
	s13 =	simm.s32 $0xFC00;
	v4 =	vld [tilespmem:s0+$0x0];
	[tilespmem:s0+$0x180] =	vst v6;
	v6 =	vmul.f32 $8.000000000e+00, v7  }
.LBB2_9:
0x13e: {  	v7 =	vld [tilespmem:s13+$0x1F0];
	s12 =	sadd.s32 $0x8, s12;
	[tilespmem:s0+$0x190] =	vst v5;
	v0 =	vmul.f32 $8.000000000e+00, v0  }
0x13f: {  	v5 =	vld [tilespmem:s13+$0x10];
	p1 =	slt.u32 s12, $0xC0;
	[tilespmem:s0+$0x1A0] =	vst v6;
	v1 =	vmul.f32 $8.000000000e+00, v1  }
0x140: {  	v6 =	vld [tilespmem:s13+$0x20];
	[tilespmem:s0+$0x1B0] =	vst v0;
	v0 =	vmul.f32 $8.000000000e+00, v2  }
0x141: {  	v2 =	vld [tilespmem:s13+$0x30];
	[tilespmem:s0+$0x1C0] =	vst v1;
	v1 =	vmul.f32 $8.000000000e+00, v3  }
0x142: {  	v3 =	vld [tilespmem:s13+$0x40];
	v4 =	vmul.f32 $8.000000000e+00, v4;
	[tilespmem:s0+$0x1D0] =	vst v0  }
0x143: {  	v0 =	vld [tilespmem:s13+$0x50];
	v7 =	vmul.f32 $8.000000000e+00, v7;
	[tilespmem:s0+$0x1E0] =	vst v1  }
0x144: {  	v1 =	vmul.f32 $8.000000000e+00, v5;
	v5 =	vld [tilespmem:s13+$0x60];
	[tilespmem:s0+$0x0] =	vst v4;
	s0 =	smov.u32 s13  }
0x145: {  	v4 =	vmul.f32 $8.000000000e+00, v6;
	v6 =	vld [tilespmem:s13+$0x70];
	[tilespmem:s13+$0x1F0] =	vst v7  }
0x146: {  	[tilespmem:s13+$0x10] =	vst v1;
	v1 =	vmul.f32 $8.000000000e+00, v2;
	v2 =	vld [tilespmem:s13+$0x80]  }
0x147: {  	[tilespmem:s13+$0x20] =	vst v4;
	v3 =	vmul.f32 $8.000000000e+00, v3;
	v4 =	vld [tilespmem:s13+$0x90]  }
0x148: {  	[tilespmem:s13+$0x30] =	vst v1;
	v0 =	vmul.f32 $8.000000000e+00, v0;
	v1 =	vld [tilespmem:s13+$0xA0]  }
0x149: {  	[tilespmem:s13+$0x40] =	vst v3;
	v3 =	vmul.f32 $8.000000000e+00, v5;
	v5 =	vld [tilespmem:s13+$0xB0]  }
0x14a: {  	[tilespmem:s13+$0x50] =	vst v0;
	v0 =	vmul.f32 $8.000000000e+00, v6;
	v6 =	vld [tilespmem:s13+$0xC0]  }
0x14b: {  	[tilespmem:s13+$0x60] =	vst v3;
	v2 =	vmul.f32 $8.000000000e+00, v2;
	v3 =	vld [tilespmem:s13+$0xD0]  }
0x14c: {  	[tilespmem:s13+$0x70] =	vst v0;
	v0 =	vmul.f32 $8.000000000e+00, v4;
	v4 =	vld [tilespmem:s13+$0xE0]  }
0x14d: {  	[tilespmem:s13+$0x80] =	vst v2;
	v1 =	vmul.f32 $8.000000000e+00, v1;
	v2 =	vld [tilespmem:s13+$0xF0]  }
0x14e: {  	[tilespmem:s13+$0x90] =	vst v0;
	v0 =	vmul.f32 $8.000000000e+00, v5;
	v5 =	vld [tilespmem:s13+$0x100]  }
0x14f: {  	[tilespmem:s13+$0xA0] =	vst v1;
	v1 =	vmul.f32 $8.000000000e+00, v6;
	v6 =	vld [tilespmem:s13+$0x110]  }
0x150: {  	[tilespmem:s13+$0xB0] =	vst v0;
	v0 =	vmul.f32 $8.000000000e+00, v3;
	v3 =	vld [tilespmem:s13+$0x120]  }
0x151: {  	[tilespmem:s13+$0xC0] =	vst v1;
	v1 =	vmul.f32 $8.000000000e+00, v4;
	v4 =	vld [tilespmem:s13+$0x130]  }
0x152: {  	[tilespmem:s13+$0xD0] =	vst v0;
	v0 =	vmul.f32 $8.000000000e+00, v2;
	v2 =	vld [tilespmem:s13+$0x140]  }
0x153: {  	[tilespmem:s13+$0xE0] =	vst v1;
	v1 =	vmul.f32 $8.000000000e+00, v5;
	v5 =	vld [tilespmem:s13+$0x150]  }
0x154: {  	[tilespmem:s13+$0xF0] =	vst v0;
	v0 =	vmul.f32 $8.000000000e+00, v6;
	v6 =	vld [tilespmem:s13+$0x160]  }
0x155: {  	[tilespmem:s13+$0x100] =	vst v1;
	v1 =	vmul.f32 $8.000000000e+00, v3;
	v3 =	vld [tilespmem:s13+$0x170]  }
0x156: {  	[tilespmem:s13+$0x110] =	vst v0;
	v0 =	vmul.f32 $8.000000000e+00, v4;
	v4 =	vld [tilespmem:s13+$0x180]  }
0x157: {  	[tilespmem:s13+$0x120] =	vst v1;
	v1 =	vmul.f32 $8.000000000e+00, v2;
	v7 =	vld [tilespmem:s13+$0x190]  }
0x158: {  	[tilespmem:s13+$0x130] =	vst v0;
	v2 =	vmul.f32 $8.000000000e+00, v5;
	v8 =	vld [tilespmem:s13+$0x1A0]  }
.Ltmp5:
0x159: {  	[tilespmem:s13+$0x140] =	vst v1;
	v5 =	vmul.f32 $8.000000000e+00, v6;
	v0 =	vld [tilespmem:s13+$0x1B0];
	(pc) =	sbr.rel @p1 .LBB2_9-.Ltmp5, $4  }
0x15a: {  	[tilespmem:s13+$0x150] =	vst v2;
	v3 =	vmul.f32 $8.000000000e+00, v3;
	v1 =	vld [tilespmem:s13+$0x1C0]  }
0x15b: {  	[tilespmem:s13+$0x160] =	vst v5;
	v6 =	vmul.f32 $8.000000000e+00, v4;
	v2 =	vld [tilespmem:s13+$0x1D0]  }
0x15c: {  	[tilespmem:s13+$0x170] =	vst v3;
	v5 =	vmul.f32 $8.000000000e+00, v7;
	v3 =	vld [tilespmem:s13+$0x1E0]  }
0x15d: {  	s13 =	sadd.s32 $0x200, s13;
	v4 =	vld [tilespmem:s0+$0x0];
	[tilespmem:s0+$0x180] =	vst v6;
	v6 =	vmul.f32 $8.000000000e+00, v8  }
0x15e: {  	[tilespmem:s0+$0x190] =	vst v5;
	v0 =	vmul.f32 $8.000000000e+00, v0  }
0x15f: {  	[tilespmem:s0+$0x1A0] =	vst v6;
	v1 =	vmul.f32 $8.000000000e+00, v1  }
0x160: {  	[tilespmem:s0+$0x1B0] =	vst v0;
	v61 =	vmul.f32 $8.000000000e+00, v2  }
.Ltmp6:
0x161: {  	s1 =	sadd.s32 s5, s1;
	[tilespmem:s0+$0x1C0] =	vst v1;
	v62 =	vmul.f32 $8.000000000e+00, v3;
	(pc) =	sbr.rel @p0 .LBB2_12-.Ltmp6, $4  }
0x162: {  	s1 =	smul.u32 $0x640, s1;
	v63 =	vmul.f32 $8.000000000e+00, v4;
	[tilespmem:s0+$0x1D0] =	vst v61  }
0x163: {  	[tilespmem:s0+$0x1E0] =	vst v62  }
0x164: {  	s15 =	sadd.s32 s2, s1;
	[tilespmem:s0+$0x0] =	vst v63  }
0x165: {  	[hbm4b:s15+s3] =	stream.linear.scatter [tilespmem:s21], [sflag:$0x8], $0x3200, $0x38;
	[tilespmem:$0x12C00] =	vst v63  }
0x166: {  	s0 =	smul.u32 $0xC80, s31  }
0x167: {  	_ =	swait.ge [sflag:s26], $0x3200  }
.Ltmp7:
0x168: {  	[sflag:s26] =	ssyncset.done $0x0;
	s0 =	sshra.s32 s0, $0x2;
	(pc) =	sbr.rel .LBB2_2-.Ltmp7, $4  }
0x169: {  	[sflag:s26] =	ssyncadd.s32 $0xFFFFCE00;
	s1 =	sadd.s32 $0x3E8, s0  }
0x16a: {  	[tilespmem:s14], [sflag:$0x2] =	stream.indirect.gather [hbm4b:s4+s9], $0x40, s1, s9, $0xb8;
	[tilespmem:$0x12C00] =	vst v63  }
0x16b: {  	s31 =	sadd.s32 $0x1, s31;
	s0 =	sadd.s32 $0x450, s0  }
0x16c: {  	[tilespmem:s16], [sflag:$0x2] =	stream.indirect.gather [hbm4b:s4+s11], $0x40, s0, s11, $0xb8;
	[tilespmem:$0x12C00] =	vst v63  }
.LBB2_13:
0x16d: {  	_ =	sfence.sel $0x180000  }
0x16e: {  	[bflag:$0x0] =	sbarrier.arrive $0xFFFF  }
0x16f: {  	_ =	strace $0x90000047  }
0x170: {  	s0 =	stileid.u32;
	[bflag:$0x2] =	sbarrier.arrive $0xFFFF  }
0x171: {  	p0 =	sne.s32 s0, $0x0;
	s0 =	rddreg [dreg:$0x2]  }
0x172: {  	s0 =	sadd.s32 @!p0 $0x100000, s0  }
0x173: {  	[sflag:s0] =	ssyncadd.tile.s32 @!p0 $0x1;
	_ =	shalt  }
.Lfunc_end2:
_tile_overlayer_lowered:
.L_overlay_start_2:
0x174: {  	(tag) =	ssettag $0x2  }
0x175: {  	s0 =	rddreg [dreg:$0x0];
	s2 =	stileid.u32  }
0x176: {  	s1 =	rddreg [dreg:$0x1];
	p0 =	sne.s32 s2, $0x0  }
0x177: {  	s3 =	rddreg [dreg:$0x2];
	[bflag:$0x3] =	sbarrier.arrive $0xFFFF;
	s2 =	simm.s32 @!p0 $0x1C09  }
0x178: {  	[timem:s3], [sflag:s2] =	dma.local @!p0 [hbm:s0], s1  }
0x179: {  	s0 =	simm.s32 @!p0 $0x9  }
0x17a: {  	_ =	swait.ge @!p0 [sflag:s0], s1  }
0x17b: {  	s1 =	ssub.s32 @!p0 $0x0, s1;
	[sflag:s0] =	ssyncset.done @!p0 $0x0  }
0x17c: {  	[sflag:s0] =	ssyncadd.s32 @!p0 s1  }
0x17d: {  	[bflag:$0x3] =	sbarrier.arrive $0xFFFF  }
0x17e: {  	_ =	shalt  }

// kernel: sparse-core-data-format-call.cloned.1.call-start
scs
called_computation_lowered:
.L_overlay_start_0:
0x0: {  	s2 =	sld [smem:$0x3FD9]  }
0x1: {  	s3 =	sld [smem:$0x3FFE];
	_ =	sdelay $0x1  }
0x2: {  	s1 =	srdreg.scid  }
0x3: {  	s0 =	sand.u32 $0x1, s1  }
0x4: {  	s18 =	sshll.u32 s0, $0xA;
	s2 =	sadd.s32 s3, s2  }
0x5: {  	s2 =	sadd.s32 s2, s18  }
0x6: {  	[smem:$0x3FC6] =	sst s2  }
0x7: {  	_ = 	snop  }
0x8: {  	s2 =	sld [smem:$0x3FD0];
	(tm) =	ssettm $0x1  }
0x9: {  	s19 =	sld [smem:$0x3FFB];
	_ =	sdelay $0x3  }
0xa: {  	_ =	strace s19  }
0xb: {  	s3 =	sld [smem:$0x3FFC];
	_ =	sdelay $0x3  }
0xc: {  	_ =	strace s3  }
0xd: {  	s3 =	sld [smem:$0x3FFD];
	_ =	sdelay $0x3  }
0xe: {  	_ =	strace s3  }
0xf: {  	_ =	strace $0x8FFFFFFF  }
0x10: {  	s20 =	sld [smem:$0x3FDB];
	_ =	sdelay $0x1  }
0x11: {  	s4 =	simm.s32 $_scs_section_size  }
0x12: {  	s5 =	simm.s32 $_size__tile_overlayer_lowered;
	s6 =	simm.s32 $_tile_overlayer_lowered  }
0x13: {  	s23 =	simm.s32 $0x1BFF;
	s22 =	sshll.u32 s6, $0x1;
	s3 =	sadd.s32 s4, s20  }
0x14: {  	s7 =	simm.s32 $0x0;
	s21 =	sshll.u32 s5, $0x1;
	s5 =	sadd.s32 s22, s3  }
0x15: {  	[timem:s7], [sflag:s23] =	dma.local [hbm:s5], s21  }
0x16: {  	_ =	swait.ge [sflag:s23], s21  }
0x17: {  	s4 =	ssub.s32 $0x0, s21;
	[sflag:s23] =	ssyncset.done $0x0  }
0x18: {  	[sflag:s23] =	ssyncadd.s32 s4;
	_ =	sdelay $0x1  }
0x19: {  	s24 =	simm.s32 $0x1B8B  }
0x1a: {  	_ =	swait.ge [sflag:s24], $0x1  }
0x1b: {  	[sflag:s24] =	ssyncset.done $0x0  }
0x1c: {  	s26 =	simm.s32 $0x1B8E;
	s25 =	sld [smem:$0x3FFE];
	[sflag:s24] =	ssyncadd.s32 $0xFFFFFFFF  }
0x1d: {  	s27 =	simm.s32 $execute0_lowered;
	[smem:$0x3FD2] =	sst s26  }
0x1e: {  	s5 =	sshll.u32 s27, $0x1;
	_ =	strace $0x80000049;
	[dreg:$0x1] =	wrdreg $0xFFFFFFFF  }
0x1f: {  	s28 =	simm.s32 $_size_execute0_lowered;
	s3 =	sadd.s32 s3, s5;
	[dreg:$0x0] =	wrdreg $0x0  }
0x20: {  	s5 =	sshll.u32 s28, $0x1;
	[dreg:$0x2] =	wrdreg s3  }
0x21: {  	[dreg:$0x3] =	wrdreg s5  }
0x22: {  	[dreg:$0x4] =	wrdreg $0xC0  }
0x23: {  	_ =	task [dreg:s7], $0x5FFFF  }
0x24: {  	[dreg:$0x1] =	wrdreg $0xFFFFFFFF  }
0x25: {  	[dreg:$0x0] =	wrdreg $0x60  }
0x26: {  	[dreg:$0x2] =	wrdreg s25  }
0x27: {  	[dreg:$0x3] =	wrdreg s2  }
0x28: {  	[dreg:$0x4] =	wrdreg $0x9  }
0x29: {  	_ =	task.clear_ibuf [dreg:s7], $0x5FFFF;
	_ =	strace $0x90000049  }
0x2a: {  	s29 =	simm.s32 $0x9;
	_ =	strace $0x8000004B  }
0x2b: {  	_ =	swait.ge [sflag:s29], $0x1  }
0x2c: {  	[sflag:s29] =	ssyncadd.s32 $0xFFFFFFFF  }
0x2d: {  	_ =	strace $0x9000004B  }
0x2e: {  	_ =	sfence  }
0x2f: {  	s30 =	sld [smem:$0x0];
	_ =	sdelay $0x2  }
0x30: {  	s31 =	sshll.u32 s1, $0xD;
	s1 =	sshrl.u32 s1, $0x2  }
0x31: {  	s3 =	sand.u32 $0x4000, s31;
	s1 =	sadd.s32 s1, s30  }
0x32: {  	s0 =	sor.u32 s3, s0;
	s1 =	sshll.u32 s1, $0x11  }
0x33: {  	s0 =	sor.u32 s1, s0  }
0x34: {  	s0 =	sadd.s32 $0x8F2B, s0  }
0x35: {  	[sflag:s0] =	ssyncadd.remote.s32 $0x1  }
0x36: {  	_ =	sfence.sel $0xFFFF  }
0x37: {  	[dreg:$0x0] =	wrdreg $0xFFFFFFFF;
	(pc) =	sbr.abs _section_cstart, $3  }
0x38: {  	[dreg:$0x1] =	wrdreg $0xFFFFFFFF  }
0x39: {  	_ =	task.clear_ibuf [dreg:s7], $0x2FFFF;
	_ =	strace $0x9FFFFFFF  }
0x3a: {  	(tm) =	ssettm $0x7FFFFFFF  }
0x3b: {  	_ =	shalt  }
tec
execute0_lowered:
.L_overlay_start_1:
0x0: {  	(tag) =	ssettag $0x1  }
0x1: {  	s0 =	srdreg.scid  }
0x2: {  	s1 =	sshll.u32 s0, $0x4  }
0x3: {  	s0 =	stileid.u32;
	s1 =	sand.u32 $0x10, s1  }
0x4: {  	s1 =	sor.u32 s0, s1  }
0x5: {  	s6 =	rddreg [dreg:$0x0];
	s4 =	simm.s32 $0x1;
	s2 =	sshll.u32 s1, $0x7  }
0x6: {  	s7 =	simm.s32 $0x2;
	s12 =	simm.s32 $0x0;
	s1 =	ssub.s32 $0x1000, s2  }
0x7: {  	s8 =	simm.s32 $0x8000;
	s13 =	simm.s32 $0x0;
	s3 =	sand.u32 $0xF80, s1  }
0x8: {  	s9 =	simm.s32 $0x0;
	s5 =	sshrl.u32 s1, $0xC;
	p0 =	sne.s32 s3, $0x0  }
.Ltmp0:
0x9: {  	s1 =	rddreg [dreg:$0x2];
	s4 =	simm.s32 @!p0 $0x0;
	(pc) =	sbr.rel .LBB1_1-.Ltmp0, $4  }
0xa: {  	s11 =	simm.s32 $0x0;
	s3 =	rddreg [dreg:$0x1];
	s5 =	sadd.s32 s4, s5  }
0xb: {  	_ =	strace $0x8000004A;
	s4 =	simm.s32 $0x1;
	s5 =	smul.u32 $0xC8, s5  }
0xc: {  	s6 =	sadd.s32 $0xA00, s6;
	s10 =	smov.u32 s2;
	[sflag:s4] =	ssyncpa.u1 $0x0  }
0xd: {  	p0 =	por $0x0, $0x0;
	[sflag:s7] =	ssyncpa.u1 $0x0;
	s7 =	sor.u32 $0x1, s5  }
.LBB1_4:
0xe: {  	s16 =	sshll.u32 s13, $0x3;
	s17 =	sand.u32 $0x78, s13  }
0xf: {  	s30 =	sand.u32 $0x7E00, s13;
	s12 =	sshll.u32 s12, $0xF;
	s16 =	sand.u32 $0xC00, s16  }
0x10: {  	[tilespmem:s15+$0x810 ss:$0x81] =	vst.msk $0xffff, v2;
	s31 =	sand.u32 $0x7, s13;
	s16 =	sor.u32 s17, s16;
	s17 =	sadd.s32 s3, s30  }
0x11: {  	[tilespmem:s15+$0x1020 ss:$0x81] =	vst.msk $0xffff, v0;
	s13 =	sshll.u32 s31, $0x12;
	s12 =	sadd.s32 s12, s17;
	s16 =	sshrl.u32 s16, $0x3  }
0x12: {  	[tilespmem:s15+$0x0 ss:$0x81] =	vst.msk $0xffff, v1;
	s13 =	sor.u32 $0x400, s13;
	s12 =	sadd.s32 s16, s12  }
0x13: {  	[hbm4b:s12+s13] =	stream.strided.scatter [tilespmem:s14], [sflag:$0x2], $0x2000, s8, s13, $0x20;
	[tilespmem:$0x8080] =	vst v63  }
.LBB1_5:
0x14: {  	s14 =	sadd.s32 $0x1, s9  }
0x15: {  	s12 =	sadd.s32 $0x1000, s10;
	s16 =	smov.u32 s10;
	p2 =	sgt.s32 s14, $0xC7  }
0x16: {  	s16 =	smov.u32 @p2 s12  }
0x17: {  	s14 =	simm.s32 @p2 $0x0;
	p2 =	sgt.s32 s16, $0xFFF  }
0x18: {  	s16 =	smov.u32 @p2 s2;
	p2 =	sne.s32 s11, s7  }
.Ltmp1:
0x19: {  	p1 =	slt.u32 s11, $0x2;
	(pc) =	sbr.rel @!p2 .LBB1_6-.Ltmp1, $4  }
0x1a: {  	s15 =	simm.s32 @!p1 $0x2  }
0x1b: {  	s13 =	smov.u32 s10;
	p0 =	por !p0, !p0;
	_ =	swait.ge @!p1 [sflag:s15], $0x2000  }
0x1c: {  	s12 =	smov.u32 s9;
	[sflag:s15] =	ssyncset.done @!p1 $0x0;
	s9 =	smov.u32 s14  }
0x1d: {  	s11 =	sadd.s32 $0x1, s11;
	[sflag:s15] =	ssyncadd.s32 @!p1 $0xFFFFE000;
	s10 =	smov.u32 s16  }
.LBB1_1:
0x1e: {  	p1 =	sge.u32 s11, s5  }
0x1f: {  	s14 =	sand.u32 @!p1 $0x1FFFFFF, s9  }
0x20: {  	s15 =	smulhi.u32 @!p1 $0x147AE15, s14;
	_ =	sdelay $0x1  }
0x21: {  	s15 =	smul.u32 @!p1 $0xC8, s15  }
0x22: {  	s16 =	sxor.u32 @!p1 $0xFFFFFFFF, s11;
	s17 =	smul.u32 @!p1 $0xC80, s10  }
0x23: {  	s31 =	sadd.s32 $0xFFFFFFFF, s11;
	s16 =	sshll.u32 @!p1 s16, $0xD;
	s14 =	ssub.s32 @!p1 s14, s15  }
0x24: {  	s15 =	sand.u32 @!p1 $0x2000, s16;
	s16 =	sadd.s32 @!p1 s6, s17;
	s14 =	sshll.u32 @!p1 s14, $0x4  }
0x25: {  	s17 =	simm.s32 @!p1 $0x6400;
	s14 =	sadd.s32 @!p1 s14, s16;
	s16 =	simm.s32 @!p1 $0x40  }
0x26: {  	[tilespmem:s15], [sflag:$0x1] =	stream.strided.gather @!p1 [hbm4b:s14+s16], $0x2000, s17, s16, $0x38;
	[tilespmem:$0x8080] =	vst v63  }
0x27: {  	p1 =	sge.u32 s31, s5  }
.Ltmp2:
0x28: {  	_ = 	snop;
	(pc) =	sbr.rel @p1 .LBB1_5-.Ltmp2, $1  }
0x29: {  	_ =	sdelay $0x3  }
0x2a: {  	s14 =	simm.s32 $0x1  }
0x2b: {  	_ =	swait.ge [sflag:s4], $0x2000;
	s14 =	simm.s32 @!p0 $0x0  }
0x2c: {  	[sflag:s4] =	ssyncset.done $0x0;
	s15 =	sshll.u32 s14, $0xD  }
0x2d: {  	[sflag:s4] =	ssyncadd.s32 $0xFFFFE000;
	s18 =	sor.u32 $0x20, s15  }
0x2e: {  	s14 =	smul.u32 $0x8100, s14;
	v3 =	vld [tilespmem:s18+$0x10]  }
0x2f: {  	s30 =	sand.u32 $0x1, s11;
	v2 =	vld [tilespmem:s18+$0xFFFFFFF0]  }
0x30: {  	s15 =	smul.u32 $0x8100, s30;
	s14 =	sshrl.u32 s14, $0x2;
	v0 =	vld [tilespmem:s18+$0x0]  }
0x31: {  	v1 =	vld [tilespmem:s18+$0xFFFFFFE0];
	s16 =	sor.u32 $0x4000, s14  }
0x32: {  	s31 =	sshrl.u32 s15, $0x2;
	s15 =	sadd.s32 $0x0, s16  }
0x33: {  	s17 =	simm.s32 $0x4;
	s18 =	sadd.s32 $0x40, s18;
	s14 =	sor.u32 $0x4000, s31;
	[tilespmem:s15+$0x1830 ss:$0x81] =	vst.msk $0xffff, v3  }
.LBB1_3:
0x34: {  	v3 =	vld [tilespmem:s18+$0x10];
	p1 =	sne.s32 s17, $0x1FC;
	[tilespmem:s15+$0x810 ss:$0x81] =	vst.msk $0xffff, v2;
	s19 =	smov.u32 s17;
	s17 =	sadd.s32 $0x4, s17  }
.Ltmp3:
0x35: {  	v2 =	vld [tilespmem:s18+$0xFFFFFFF0];
	[tilespmem:s15+$0x1020 ss:$0x81] =	vst.msk $0xffff, v0;
	(pc) =	sbr.rel @p1 .LBB1_3-.Ltmp3, $4  }
0x36: {  	v0 =	vld [tilespmem:s18+$0x0];
	[tilespmem:s15+$0x0 ss:$0x81] =	vst.msk $0xffff, v1  }
0x37: {  	s15 =	sshra.s32 s19, $0x2;
	v1 =	vld [tilespmem:s18+$0xFFFFFFE0]  }
0x38: {  	s15 =	sadd.s32 s15, s16  }
0x39: {  	s18 =	sadd.s32 $0x40, s18;
	[tilespmem:s15+$0x1830 ss:$0x81] =	vst.msk $0xffff, v3  }
.Ltmp4:
0x3a: {  	_ = 	snop;
	(pc) =	sbr.rel .LBB1_4-.Ltmp4, $1  }
0x3b: {  	_ =	sdelay $0x3  }
.LBB1_6:
0x3c: {  	_ =	sfence.sel $0x180000  }
0x3d: {  	s2 =	simm.s32 $0x1;
	[bflag:$0x0] =	sbarrier.arrive $0xFFFF  }
0x3e: {  	s31 =	simm.s32 $0x2;
	[sflag:s2] =	ssyncpa.u1 $0x1  }
0x3f: {  	[sflag:s31] =	ssyncpa.u1 $0x1  }
0x40: {  	p0 =	sne.s32 s0, $0x0;
	_ =	strace $0x9000004A  }
0x41: {  	s0 =	sadd.s32 @!p0 $0x100000, s1;
	[bflag:$0x2] =	sbarrier.arrive $0xFFFF  }
0x42: {  	[sflag:s0] =	ssyncadd.tile.s32 @!p0 $0x1;
	_ =	shalt  }
.Lfunc_end1:
_tile_overlayer_lowered:
.L_overlay_start_2:
0x43: {  	(tag) =	ssettag $0x2  }
0x44: {  	s0 =	rddreg [dreg:$0x0];
	s2 =	stileid.u32  }
0x45: {  	s1 =	rddreg [dreg:$0x1];
	p0 =	sne.s32 s2, $0x0  }
0x46: {  	s3 =	rddreg [dreg:$0x2];
	[bflag:$0x3] =	sbarrier.arrive $0xFFFF;
	s2 =	simm.s32 @!p0 $0x1C01  }
0x47: {  	[timem:s3], [sflag:s2] =	dma.local @!p0 [hbm:s0], s1  }
0x48: {  	s0 =	simm.s32 @!p0 $0x1  }
0x49: {  	_ =	swait.ge @!p0 [sflag:s0], s1  }
0x4a: {  	s1 =	ssub.s32 @!p0 $0x0, s1;
	[sflag:s0] =	ssyncset.done @!p0 $0x0  }
0x4b: {  	[sflag:s0] =	ssyncadd.s32 @!p0 s1  }
0x4c: {  	[bflag:$0x3] =	sbarrier.arrive $0xFFFF  }
0x4d: {  	_ =	shalt  }

</sc_bundles>
